<compile_context>
chip_gen: v7x
topology: tpu7x:2x2x1
jax: 0.10.2.dev20260603
libtpu: 0.0.44.dev20260713+nightly
codegen_flags: <defaults>
</compile_context>

<pallas_src>
import functools

import jax
import jax.numpy as jnp
from jax import lax
from jax.experimental import pallas as pl
from jax.experimental.pallas import tpu as pltpu
from jax.experimental.pallas import tpu_sc as plsc

_D = 1024
_B = 4
_S = 2048
_P = 20
_R = _S + _P
_NDT = _D // 128

_NC = 2
_NS = 16
_NW = _NC * _NS
_SEQ_W = _S // _NW
_CSEQ = 4
_NCHUNK = _SEQ_W // _CSEQ
_NBUF = 4
_WSHIFT = 2
_CPIECE = _CSEQ * _B * _NDT
_SPROWS = _B * _P * _NDT
_OUTROWS = _R * _NDT * _B
_WROWS = (100000 // 8) * 8 * _NDT


def _embed_concat(tokens_flat, sp_pieces, w_pieces):
    mesh = plsc.VectorSubcoreMesh(core_axis_name="c", subcore_axis_name="s")

    @functools.partial(
        pl.kernel,
        mesh=mesh,
        out_type=jax.ShapeDtypeStruct((_OUTROWS, 128), jnp.float32),
        scratch_types=[
            pltpu.VMEM((8, 128), jnp.int32),
            pltpu.VMEM((_NBUF, _CPIECE, 128), jnp.float32),
            pltpu.VMEM((_SPROWS // 8, 128), jnp.float32),
            pltpu.SemaphoreType.DMA,
            pltpu.SemaphoreType.DMA,
            pltpu.SemaphoreType.DMA,
            pltpu.SemaphoreType.DMA,
            pltpu.SemaphoreType.DMA,
            pltpu.SemaphoreType.DMA,
            pltpu.SemaphoreType.DMA,
            pltpu.SemaphoreType.DMA,
            pltpu.SemaphoreType.DMA,
        ],
        compiler_params=pltpu.CompilerParams(needs_layout_passes=False),
    )
    def k(tok_hbm, sp_hbm, w_hbm, out_hbm, idx_v, rows_v, sp_v,
          gsem0, gsem1, gsem2, gsem3,
          osem0, osem1, osem2, osem3, psem):
        wid = lax.axis_index("s") * _NC + lax.axis_index("c")
        seq0 = pl.multiple_of(wid * _SEQ_W, _SEQ_W)
        iota16 = lax.iota(jnp.int32, 16)

        pltpu.sync_copy(
            tok_hbm.at[pl.ds(pl.multiple_of((wid // 4) * 8, 8), 8)],
            idx_v)
        row0 = (wid // 2) % 2 * 4
        col0 = wid % 2 * 64

        sp_off = pl.multiple_of(wid % 8 * (_SPROWS // 8), 8)

        @pl.when(wid < 8)
        def _():
            pltpu.async_copy(sp_hbm.at[pl.ds(sp_off, _SPROWS // 8)],
                             sp_v, psem)

        gsem = (gsem0, gsem1, gsem2, gsem3)[:_NBUF]
        osem = (osem0, osem1, osem2, osem3)[:_NBUF]

        def issue_gathers(c, p):
            for v in range(_CPIECE // 16):
                pp = 16 * v + iota16
                sl = lax.shift_right_logical(pp, 5)
                dt = lax.bitwise_and(lax.shift_right_logical(pp, 2), 7)
                bb = lax.bitwise_and(pp, 3)
                t = plsc.load_gather(
                    idx_v, [row0 + bb, col0 + c * _CSEQ + sl])
                gidx = (lax.shift_right_logical(t, 3) * (8 * _NDT)
                        + dt * 8 + lax.bitwise_and(t, 7))
                pltpu.async_copy(
                    w_hbm.at[gidx], rows_v.at[p, pl.ds(16 * v, 16)],
                    gsem[p])

        def drain_gathers(p):
            pltpu.make_async_copy(
                w_hbm.at[pl.ds(0, _CPIECE)], rows_v.at[p], gsem[p]).wait()

        def issue_write(c, p):
            row = pl.multiple_of(
                (_P + seq0 + c * _CSEQ) * (_NDT * _B), 128)
            pltpu.async_copy(
                rows_v.at[p], out_hbm.at[pl.ds(row, _CPIECE)], osem[p])

        def drain_write(p):
            pltpu.make_async_copy(
                rows_v.at[p], out_hbm.at[pl.ds(0, _CPIECE)], osem[p]).wait()

        def body(i2, carry):
            for h in range(_NBUF):
                g = _NBUF * i2 + h
                q = (h - _WSHIFT) % _NBUF

                @pl.when(jnp.logical_and(g >= _NBUF,
                                         g < _NCHUNK + _NBUF))
                def _():
                    drain_write(h)

                @pl.when(g < _NCHUNK)
                def _():
                    issue_gathers(g, h)

                @pl.when(jnp.logical_and(g >= _WSHIFT,
                                         g < _NCHUNK + _WSHIFT))
                def _():
                    drain_gathers(q)
                    issue_write(g - _WSHIFT, q)
            return carry

        nsteps = _NCHUNK + _NBUF
        lax.fori_loop(0, (nsteps + _NBUF - 1) // _NBUF, body, 0)

        @pl.when(wid < 8)
        def _():
            pltpu.make_async_copy(
                sp_hbm.at[pl.ds(sp_off, _SPROWS // 8)], sp_v, psem).wait()
            pltpu.async_copy(
                sp_v, out_hbm.at[pl.ds(sp_off, _SPROWS // 8)], psem).wait()

    return k(tokens_flat, sp_pieces, w_pieces)


def kernel(tokens, soft_prompts, W):
    tokens_flat = (tokens.astype(jnp.int32).reshape(_B, _S // 128, 128)
                   .transpose(1, 0, 2).reshape(_B * _S // 128, 128))
    sp_pieces = (soft_prompts.reshape(_B, _P, _NDT, 128)
                 .transpose(1, 2, 0, 3).reshape(_SPROWS, 128))
    w_pieces = (W.reshape(_WROWS // 64, 8, _NDT, 128)
                .transpose(0, 2, 1, 3).reshape(_WROWS, 128))
    out = _embed_concat(tokens_flat, sp_pieces, w_pieces)
    return (out.reshape(_R, _NDT, _B, 128)
            .transpose(2, 0, 1, 3).reshape(_B, _R, _D))

# --- scband reference (transcript-rebuilt; emitter-appended) ---
"""Pipeline reference for scband-dynamic-soft-embedding-69277822484597 (READ-ONLY COPY).

The authoritative reference and input builder live on the scoring server;
editing this copy changes nothing except your own understanding.
"""

import jax, jax.numpy as jnp
import numpy as np

VOCAB = 100000
D_MODEL = 1024
BATCH = 4
SEQ_LEN = 2048
PROMPT_LEN = 20


def setup_inputs(seed: int = 0) -> dict:
    key = jax.random.key(seed)
    k1, k2, k3 = jax.random.split(key, 3)
    tokens = jax.random.randint(k1, (BATCH, SEQ_LEN), 0, VOCAB, dtype=jnp.int64 if jax.config.jax_enable_x64 else jnp.int32)
    soft_prompts = jax.random.normal(k2, (BATCH, PROMPT_LEN, D_MODEL), dtype=jnp.float32)
    # Learned parameter: embedding table (wte.weight)
    W = jax.random.normal(k3, (VOCAB, D_MODEL), dtype=jnp.float32) * 0.02
    return {"tokens": tokens, "soft_prompts": soft_prompts, "W": W}


def reference(tokens, soft_prompts, W):
    # input_embeddings = self.wte(tokens)
    input_embeddings = jnp.take(W, tokens, axis=0)
    # torch.cat([soft_prompts, input_embeddings], dim=1)
    return jnp.concatenate([soft_prompts, input_embeddings], axis=1)

if __name__ == "__main__":
    import jax
    _d = setup_inputs()
    print(jax.jit(kernel)(*tuple(_d.values())))

</pallas_src>

<mosaic_0001>
#map = affine_map<(d0, d1) -> (0, 0)>
module attributes {stable_mosaic.version = 14 : i64} {
  func.func @k(%arg0: i32, %arg1: i32, %arg2: memref<64x128xi32, #tpu.memory_space<hbm>>, %arg3: memref<640x128xf32, #tpu.memory_space<hbm>>, %arg4: memref<800000x128xf32, #tpu.memory_space<hbm>>, %arg5: memref<66176x128xf32, #tpu.memory_space<hbm>>, %arg6: memref<8x128xi32, #tpu.memory_space<vmem>>, %arg7: memref<4x128x128xf32, #tpu.memory_space<vmem>>, %arg8: memref<80x128xf32, #tpu.memory_space<vmem>>, %arg9: memref<!tpu.dma_semaphore, #tpu.memory_space<semaphore_mem>>, %arg10: memref<!tpu.dma_semaphore, #tpu.memory_space<semaphore_mem>>, %arg11: memref<!tpu.dma_semaphore, #tpu.memory_space<semaphore_mem>>, %arg12: memref<!tpu.dma_semaphore, #tpu.memory_space<semaphore_mem>>, %arg13: memref<!tpu.dma_semaphore, #tpu.memory_space<semaphore_mem>>, %arg14: memref<!tpu.dma_semaphore, #tpu.memory_space<semaphore_mem>>, %arg15: memref<!tpu.dma_semaphore, #tpu.memory_space<semaphore_mem>>, %arg16: memref<!tpu.dma_semaphore, #tpu.memory_space<semaphore_mem>>, %arg17: memref<!tpu.dma_semaphore, #tpu.memory_space<semaphore_mem>>) attributes {dimension_semantics = [#tpu.dimension_semantics<core_parallel>, #tpu.dimension_semantics<subcore_parallel>], iteration_bounds = array<i64: 2, 16>, scalar_prefetch = 0 : i64, scratch_operands = 12 : i64, tpu.core_type = #tpu.core_type<sc_vector_subcore>, window_params = [{transform_indices = #map}, {transform_indices = #map}, {transform_indices = #map}, {transform_indices = #map}]} {
    %mul3A = arith.constant 2 : i32
    %mul3A_0 = arith.muli %arg1, %mul3A : i32
    %add3A = arith.addi %mul3A_0, %arg0 : i32
    %mul3A_1 = arith.constant 64 : i32
    %mul3A_2 = arith.muli %add3A, %mul3A_1 : i32
    %multiple_of3A = tpu.assume_multiple %mul3A_2, 64 : i32
    %iota3A = tpu.iota {dimensions = array<i32: 0>} : vector<16xi32>
    %jit3A = arith.constant 4 : i32
    %div3A = arith.divsi %add3A, %jit3A : i32
    %sign3A = arith.constant 0 : i32
    %sign3A_3 = arith.cmpi sgt, %add3A, %sign3A : i32
    %sign3A_4 = arith.extui %sign3A_3 : i1 to i32
    %sign3A_5 = arith.constant 0 : i32
    %sign3A_6 = arith.cmpi slt, %add3A, %sign3A_5 : i32
    %sign3A_7 = arith.extui %sign3A_6 : i1 to i32
    %sign3A_8 = arith.subi %sign3A_4, %sign3A_7 : i32
    %sign3A_9 = arith.constant 0 : i32
    %sign3A_10 = arith.cmpi sgt, %jit3A, %sign3A_9 : i32
    %sign3A_11 = arith.extui %sign3A_10 : i1 to i32
    %sign3A_12 = arith.constant 0 : i32
    %sign3A_13 = arith.cmpi slt, %jit3A, %sign3A_12 : i32
    %sign3A_14 = arith.extui %sign3A_13 : i1 to i32
    %sign3A_15 = arith.subi %sign3A_11, %sign3A_14 : i32
    %ne3A = arith.cmpi ne, %sign3A_8, %sign3A_15 : i32
    %rem3A = arith.remsi %add3A, %jit3A : i32
    %ne3A_16 = arith.constant 0 : i32
    %ne3A_17 = arith.cmpi ne, %rem3A, %ne3A_16 : i32
    %and3A = arith.andi %ne3A, %ne3A_17 : i1
    %sub3A = arith.constant 1 : i32
    %sub3A_18 = arith.subi %div3A, %sub3A : i32
    %select_n3A = arith.select %and3A, %sub3A_18, %div3A : i32
    %mul3A_19 = arith.constant 8 : i32
    %mul3A_20 = arith.muli %select_n3A, %mul3A_19 : i32
    %multiple_of3A_21 = tpu.assume_multiple %mul3A_20, 8 : i32
    "tpu.region"() ({
      %run_scoped3A = tpu.sem_alloc : memref<!tpu.dma_semaphore, #tpu.memory_space<semaphore_mem>>
      %dma_start3A = arith.constant 0 : i32
      %dma_start3A_112 = tpu.memref_slice %arg2[%multiple_of3A_21, %dma_start3A] : memref<64x128xi32, #tpu.memory_space<hbm>> -> memref<8x128xi32, #tpu.memory_space<hbm>>
      %dma_start3A_113 = arith.constant 0 : i32
      %dma_start3A_114 = tpu.memref_slice %arg2[%multiple_of3A_21, %dma_start3A_113] : memref<64x128xi32, #tpu.memory_space<hbm>> -> memref<8x128xi32, #tpu.memory_space<hbm>>
      tpu.enqueue_dma source(%dma_start3A_114 : memref<8x128xi32, #tpu.memory_space<hbm>>) target(%arg6 : memref<8x128xi32, #tpu.memory_space<vmem>>) target_semaphore(%run_scoped3A : memref<!tpu.dma_semaphore, #tpu.memory_space<semaphore_mem>>)
      %dma_wait3A = arith.constant 0 : i32
      %dma_wait3A_115 = tpu.memref_slice %arg2[%multiple_of3A_21, %dma_wait3A] : memref<64x128xi32, #tpu.memory_space<hbm>> -> memref<8x128xi32, #tpu.memory_space<hbm>>
      %dma_wait3A_116 = arith.constant 0 : i32
      %dma_wait3A_117 = tpu.memref_slice %arg2[%multiple_of3A_21, %dma_wait3A_116] : memref<64x128xi32, #tpu.memory_space<hbm>> -> memref<8x128xi32, #tpu.memory_space<hbm>>
      tpu.wait_dma2 semaphore(%run_scoped3A : memref<!tpu.dma_semaphore, #tpu.memory_space<semaphore_mem>>) src(%dma_wait3A_117 : memref<8x128xi32, #tpu.memory_space<hbm>>) dst(%arg6 : memref<8x128xi32, #tpu.memory_space<vmem>>)
      tpu.yield
    }) : () -> ()
    %jit3A_22 = arith.constant 2 : i32
    %div3A_23 = arith.divsi %add3A, %jit3A_22 : i32
    %sign3A_24 = arith.constant 0 : i32
    %sign3A_25 = arith.cmpi sgt, %add3A, %sign3A_24 : i32
    %sign3A_26 = arith.extui %sign3A_25 : i1 to i32
    %sign3A_27 = arith.constant 0 : i32
    %sign3A_28 = arith.cmpi slt, %add3A, %sign3A_27 : i32
    %sign3A_29 = arith.extui %sign3A_28 : i1 to i32
    %sign3A_30 = arith.subi %sign3A_26, %sign3A_29 : i32
    %sign3A_31 = arith.constant 0 : i32
    %sign3A_32 = arith.cmpi sgt, %jit3A_22, %sign3A_31 : i32
    %sign3A_33 = arith.extui %sign3A_32 : i1 to i32
    %sign3A_34 = arith.constant 0 : i32
    %sign3A_35 = arith.cmpi slt, %jit3A_22, %sign3A_34 : i32
    %sign3A_36 = arith.extui %sign3A_35 : i1 to i32
    %sign3A_37 = arith.subi %sign3A_33, %sign3A_36 : i32
    %ne3A_38 = arith.cmpi ne, %sign3A_30, %sign3A_37 : i32
    %rem3A_39 = arith.remsi %add3A, %jit3A_22 : i32
    %ne3A_40 = arith.constant 0 : i32
    %ne3A_41 = arith.cmpi ne, %rem3A_39, %ne3A_40 : i32
    %and3A_42 = arith.andi %ne3A_38, %ne3A_41 : i1
    %sub3A_43 = arith.constant 1 : i32
    %sub3A_44 = arith.subi %div3A_23, %sub3A_43 : i32
    %select_n3A_45 = arith.select %and3A_42, %sub3A_44, %div3A_23 : i32
    %jit3A_46 = arith.constant 2 : i32
    %eq3A = arith.constant 0 : i32
    %eq3A_47 = arith.cmpi eq, %jit3A_46, %eq3A : i32
    %jit3A_48 = arith.constant 1 : i32
    %select_n3A_49 = arith.select %eq3A_47, %jit3A_48, %jit3A_46 : i32
    %rem3A_50 = arith.remsi %select_n3A_45, %select_n3A_49 : i32
    %ne3A_51 = arith.constant 0 : i32
    %ne3A_52 = arith.cmpi ne, %rem3A_50, %ne3A_51 : i32
    %lt3A = arith.constant 0 : i32
    %lt3A_53 = arith.cmpi slt, %rem3A_50, %lt3A : i32
    %lt3A_54 = arith.constant 0 : i32
    %lt3A_55 = arith.cmpi slt, %select_n3A_49, %lt3A_54 : i32
    %ne3A_56 = arith.xori %lt3A_53, %lt3A_55 : i1
    %and3A_57 = arith.andi %ne3A_56, %ne3A_52 : i1
    %add3A_58 = arith.addi %rem3A_50, %select_n3A_49 : i32
    %select_n3A_59 = arith.select %and3A_57, %add3A_58, %rem3A_50 : i32
    %mul3A_60 = arith.constant 4 : i32
    %mul3A_61 = arith.muli %select_n3A_59, %mul3A_60 : i32
    %jit3A_62 = arith.constant 2 : i32
    %eq3A_63 = arith.constant 0 : i32
    %eq3A_64 = arith.cmpi eq, %jit3A_62, %eq3A_63 : i32
    %jit3A_65 = arith.constant 1 : i32
    %select_n3A_66 = arith.select %eq3A_64, %jit3A_65, %jit3A_62 : i32
    %rem3A_67 = arith.remsi %add3A, %select_n3A_66 : i32
    %ne3A_68 = arith.constant 0 : i32
    %ne3A_69 = arith.cmpi ne, %rem3A_67, %ne3A_68 : i32
    %lt3A_70 = arith.constant 0 : i32
    %lt3A_71 = arith.cmpi slt, %rem3A_67, %lt3A_70 : i32
    %lt3A_72 = arith.constant 0 : i32
    %lt3A_73 = arith.cmpi slt, %select_n3A_66, %lt3A_72 : i32
    %ne3A_74 = arith.xori %lt3A_71, %lt3A_73 : i1
    %and3A_75 = arith.andi %ne3A_74, %ne3A_69 : i1
    %add3A_76 = arith.addi %rem3A_67, %select_n3A_66 : i32
    %select_n3A_77 = arith.select %and3A_75, %add3A_76, %rem3A_67 : i32
    %mul3A_78 = arith.constant 64 : i32
    %mul3A_79 = arith.muli %select_n3A_77, %mul3A_78 : i32
    %jit3A_80 = arith.constant 8 : i32
    %eq3A_81 = arith.constant 0 : i32
    %eq3A_82 = arith.cmpi eq, %jit3A_80, %eq3A_81 : i32
    %jit3A_83 = arith.constant 1 : i32
    %select_n3A_84 = arith.select %eq3A_82, %jit3A_83, %jit3A_80 : i32
    %rem3A_85 = arith.remsi %add3A, %select_n3A_84 : i32
    %ne3A_86 = arith.constant 0 : i32
    %ne3A_87 = arith.cmpi ne, %rem3A_85, %ne3A_86 : i32
    %lt3A_88 = arith.constant 0 : i32
    %lt3A_89 = arith.cmpi slt, %rem3A_85, %lt3A_88 : i32
    %lt3A_90 = arith.constant 0 : i32
    %lt3A_91 = arith.cmpi slt, %select_n3A_84, %lt3A_90 : i32
    %ne3A_92 = arith.xori %lt3A_89, %lt3A_91 : i1
    %and3A_93 = arith.andi %ne3A_92, %ne3A_87 : i1
    %add3A_94 = arith.addi %rem3A_85, %select_n3A_84 : i32
    %select_n3A_95 = arith.select %and3A_93, %add3A_94, %rem3A_85 : i32
    %mul3A_96 = arith.constant 80 : i32
    %mul3A_97 = arith.muli %select_n3A_95, %mul3A_96 : i32
    %multiple_of3A_98 = tpu.assume_multiple %mul3A_97, 8 : i32
    %lt3A_99 = arith.constant 8 : i32
    %lt3A_100 = arith.cmpi slt, %add3A, %lt3A_99 : i32
    %convert_element_type3A = arith.extui %lt3A_100 : i1 to i32
    %cond3A = arith.constant 0 : i32
    %cond3A_101 = arith.cmpi ne, %convert_element_type3A, %cond3A : i32
    scf.if %cond3A_101 {
      %dma_start3A = arith.constant 0 : i32
      %dma_start3A_112 = tpu.memref_slice %arg3[%multiple_of3A_98, %dma_start3A] : memref<640x128xf32, #tpu.memory_space<hbm>> -> memref<80x128xf32, #tpu.memory_space<hbm>>
      %dma_start3A_113 = arith.constant 0 : i32
      %dma_start3A_114 = tpu.memref_slice %arg3[%multiple_of3A_98, %dma_start3A_113] : memref<640x128xf32, #tpu.memory_space<hbm>> -> memref<80x128xf32, #tpu.memory_space<hbm>>
      tpu.enqueue_dma source(%dma_start3A_114 : memref<80x128xf32, #tpu.memory_space<hbm>>) target(%arg8 : memref<80x128xf32, #tpu.memory_space<vmem>>) target_semaphore(%arg17 : memref<!tpu.dma_semaphore, #tpu.memory_space<semaphore_mem>>)
    } else {
    }
    %scan3A = arith.constant 0 : i32
    %scan3A_102 = arith.constant 0 : i32
    %scan3A_103 = arith.constant 5 : i32
    %scan3A_104 = arith.addi %scan3A_102, %scan3A_103 : i32
    %scan3A_105 = arith.constant 1 : i32
    scf.for %scan3A_112 = %scan3A_102 to %scan3A_104 step %scan3A_105  : i32 {
      %mul3A_113 = arith.constant 4 : i32
      %mul3A_114 = arith.muli %mul3A_113, %scan3A_112 : i32
      %add3A_115 = arith.constant 0 : i32
      %add3A_116 = arith.addi %mul3A_114, %add3A_115 : i32
      %ge3A = arith.constant 4 : i32
      %ge3A_117 = arith.cmpi sge, %add3A_116, %ge3A : i32
      %lt3A_118 = arith.constant 20 : i32
      %lt3A_119 = arith.cmpi slt, %add3A_116, %lt3A_118 : i32
      %and3A_120 = arith.andi %ge3A_117, %lt3A_119 : i1
      %convert_element_type3A_121 = arith.extui %and3A_120 : i1 to i32
      %cond3A_122 = arith.constant 0 : i32
      %cond3A_123 = arith.cmpi ne, %convert_element_type3A_121, %cond3A_122 : i32
      scf.if %cond3A_123 {
        %dma_wait3A = arith.constant 0 : i32
        %dma_wait3A_212 = arith.constant 0 : i32
        %dma_wait3A_213 = arith.constant 0 : i32
        %dma_wait3A_214 = tpu.memref_slice %arg7[%dma_wait3A, %dma_wait3A_212, %dma_wait3A_213] : memref<4x128x128xf32, #tpu.memory_space<vmem>> -> memref<1x128x128xf32, #tpu.memory_space<vmem>>
        %dma_wait3A_215 = tpu.memref_squeeze %dma_wait3A_214 : memref<1x128x128xf32, #tpu.memory_space<vmem>> -> memref<128x128xf32, #tpu.memory_space<vmem>>
        %dma_wait3A_216 = arith.constant 0 : i32
        %dma_wait3A_217 = arith.constant 0 : i32
        %dma_wait3A_218 = tpu.memref_slice %arg5[%dma_wait3A_216, %dma_wait3A_217] : memref<66176x128xf32, #tpu.memory_space<hbm>> -> memref<128x128xf32, #tpu.memory_space<hbm>>
        %dma_wait3A_219 = arith.constant 0 : i32
        %dma_wait3A_220 = arith.constant 0 : i32
        %dma_wait3A_221 = tpu.memref_slice %arg5[%dma_wait3A_219, %dma_wait3A_220] : memref<66176x128xf32, #tpu.memory_space<hbm>> -> memref<128x128xf32, #tpu.memory_space<hbm>>
        %dma_wait3A_222 = arith.constant 0 : i32
        %dma_wait3A_223 = arith.constant 0 : i32
        %dma_wait3A_224 = tpu.memref_slice %arg7[%dma_wait3A, %dma_wait3A_222, %dma_wait3A_223] : memref<4x128x128xf32, #tpu.memory_space<vmem>> -> memref<1x128x128xf32, #tpu.memory_space<vmem>>
        %dma_wait3A_225 = tpu.memref_squeeze %dma_wait3A_224 : memref<1x128x128xf32, #tpu.memory_space<vmem>> -> memref<128x128xf32, #tpu.memory_space<vmem>>
        tpu.wait_dma2 semaphore(%arg13 : memref<!tpu.dma_semaphore, #tpu.memory_space<semaphore_mem>>) src(%dma_wait3A_225 : memref<128x128xf32, #tpu.memory_space<vmem>>) dst(%dma_wait3A_221 : memref<128x128xf32, #tpu.memory_space<hbm>>)
      } else {
      }
      %lt3A_124 = arith.constant 16 : i32
      %lt3A_125 = arith.cmpi slt, %add3A_116, %lt3A_124 : i32
      %convert_element_type3A_126 = arith.extui %lt3A_125 : i1 to i32
      %cond3A_127 = arith.constant 0 : i32
      %cond3A_128 = arith.cmpi ne, %convert_element_type3A_126, %cond3A_127 : i32
      scf.if %cond3A_128 {
        %add3A_212 = arith.constant 0 : i32
        %add3A_213 = vector.broadcast %add3A_212 : i32 to vector<16xi32>
        %add3A_214 = arith.addi %add3A_213, %iota3A : vector<16xi32>
        %shift_right_logical3A = arith.constant 5 : i32
        %shift_right_logical3A_215 = vector.broadcast %shift_right_logical3A : i32 to vector<16xi32>
        %shift_right_logical3A_216 = arith.shrui %add3A_214, %shift_right_logical3A_215 : vector<16xi32>
        %shift_right_logical3A_217 = arith.constant 2 : i32
        %shift_right_logical3A_218 = vector.broadcast %shift_right_logical3A_217 : i32 to vector<16xi32>
        %shift_right_logical3A_219 = arith.shrui %add3A_214, %shift_right_logical3A_218 : vector<16xi32>
        %and3A_220 = arith.constant 7 : i32
        %and3A_221 = vector.broadcast %and3A_220 : i32 to vector<16xi32>
        %and3A_222 = arith.andi %shift_right_logical3A_219, %and3A_221 : vector<16xi32>
        %and3A_223 = arith.constant 3 : i32
        %and3A_224 = vector.broadcast %and3A_223 : i32 to vector<16xi32>
        %and3A_225 = arith.andi %add3A_214, %and3A_224 : vector<16xi32>
        %add3A_226 = vector.broadcast %mul3A_61 : i32 to vector<16xi32>
        %add3A_227 = arith.addi %add3A_226, %and3A_225 : vector<16xi32>
        %mul3A_228 = arith.constant 4 : i32
        %mul3A_229 = arith.muli %add3A_116, %mul3A_228 : i32
        %add3A_230 = arith.addi %mul3A_79, %mul3A_229 : i32
        %add3A_231 = vector.broadcast %add3A_230 : i32 to vector<16xi32>
        %add3A_232 = arith.addi %add3A_231, %shift_right_logical3A_216 : vector<16xi32>
        %gather3A = tpu.vector_load_idx %arg6[%add3A_227, %add3A_232] : memref<8x128xi32, #tpu.memory_space<vmem>>[vector<16xi32>, vector<16xi32>], vector<16xi32>,
        %shift_right_logical3A_233 = arith.constant 3 : i32
        %shift_right_logical3A_234 = vector.broadcast %shift_right_logical3A_233 : i32 to vector<16xi32>
        %shift_right_logical3A_235 = arith.shrui %gather3A, %shift_right_logical3A_234 : vector<16xi32>
        %mul3A_236 = arith.constant 64 : i32
        %mul3A_237 = vector.broadcast %mul3A_236 : i32 to vector<16xi32>
        %mul3A_238 = arith.muli %shift_right_logical3A_235, %mul3A_237 : vector<16xi32>
        %mul3A_239 = arith.constant 8 : i32
        %mul3A_240 = vector.broadcast %mul3A_239 : i32 to vector<16xi32>
        %mul3A_241 = arith.muli %and3A_222, %mul3A_240 : vector<16xi32>
        %add3A_242 = arith.addi %mul3A_238, %mul3A_241 : vector<16xi32>
        %and3A_243 = arith.constant 7 : i32
        %and3A_244 = vector.broadcast %and3A_243 : i32 to vector<16xi32>
        %and3A_245 = arith.andi %gather3A, %and3A_244 : vector<16xi32>
        %add3A_246 = arith.addi %add3A_242, %and3A_245 : vector<16xi32>
        %dma_start3A = arith.constant 0 : i32
        %dma_start3A_247 = arith.constant 0 : i32
        %dma_start3A_248 = arith.constant 0 : i32
        %dma_start3A_249 = tpu.memref_slice %arg7[%dma_start3A, %dma_start3A_247, %dma_start3A_248] : memref<4x128x128xf32, #tpu.memory_space<vmem>> -> memref<1x16x128xf32, #tpu.memory_space<vmem>>
        %dma_start3A_250 = tpu.memref_squeeze %dma_start3A_249 : memref<1x16x128xf32, #tpu.memory_space<vmem>> -> memref<16x128xf32, #tpu.memory_space<vmem>>
        %dma_start3A_251 = arith.constant 0 : i32
        %dma_start3A_252 = arith.constant 0 : i32
        %dma_start3A_253 = tpu.memref_slice %arg4[%dma_start3A_251, %dma_start3A_252] : memref<800000x128xf32, #tpu.memory_space<hbm>> -> memref<800000x128xf32, #tpu.memory_space<hbm>>
        tpu.enqueue_indirect_dma source(%dma_start3A_253 : memref<800000x128xf32, #tpu.memory_space<hbm>>) target(%dma_start3A_250 : memref<16x128xf32, #tpu.memory_space<vmem>>) offsets(%add3A_246 : vector<16xi32>) semaphore(%arg9 : memref<!tpu.dma_semaphore, #tpu.memory_space<semaphore_mem>>)
        %add3A_254 = arith.constant 16 : i32
        %add3A_255 = vector.broadcast %add3A_254 : i32 to vector<16xi32>
        %add3A_256 = arith.addi %add3A_255, %iota3A : vector<16xi32>
        %shift_right_logical3A_257 = arith.constant 5 : i32
        %shift_right_logical3A_258 = vector.broadcast %shift_right_logical3A_257 : i32 to vector<16xi32>
        %shift_right_logical3A_259 = arith.shrui %add3A_256, %shift_right_logical3A_258 : vector<16xi32>
        %shift_right_logical3A_260 = arith.constant 2 : i32
        %shift_right_logical3A_261 = vector.broadcast %shift_right_logical3A_260 : i32 to vector<16xi32>
        %shift_right_logical3A_262 = arith.shrui %add3A_256, %shift_right_logical3A_261 : vector<16xi32>
        %and3A_263 = arith.constant 7 : i32
        %and3A_264 = vector.broadcast %and3A_263 : i32 to vector<16xi32>
        %and3A_265 = arith.andi %shift_right_logical3A_262, %and3A_264 : vector<16xi32>
        %and3A_266 = arith.constant 3 : i32
        %and3A_267 = vector.broadcast %and3A_266 : i32 to vector<16xi32>
        %and3A_268 = arith.andi %add3A_256, %and3A_267 : vector<16xi32>
        %add3A_269 = vector.broadcast %mul3A_61 : i32 to vector<16xi32>
        %add3A_270 = arith.addi %add3A_269, %and3A_268 : vector<16xi32>
        %mul3A_271 = arith.constant 4 : i32
        %mul3A_272 = arith.muli %add3A_116, %mul3A_271 : i32
        %add3A_273 = arith.addi %mul3A_79, %mul3A_272 : i32
        %add3A_274 = vector.broadcast %add3A_273 : i32 to vector<16xi32>
        %add3A_275 = arith.addi %add3A_274, %shift_right_logical3A_259 : vector<16xi32>
        %gather3A_276 = tpu.vector_load_idx %arg6[%add3A_270, %add3A_275] : memref<8x128xi32, #tpu.memory_space<vmem>>[vector<16xi32>, vector<16xi32>], vector<16xi32>,
        %shift_right_logical3A_277 = arith.constant 3 : i32
        %shift_right_logical3A_278 = vector.broadcast %shift_right_logical3A_277 : i32 to vector<16xi32>
        %shift_right_logical3A_279 = arith.shrui %gather3A_276, %shift_right_logical3A_278 : vector<16xi32>
        %mul3A_280 = arith.constant 64 : i32
        %mul3A_281 = vector.broadcast %mul3A_280 : i32 to vector<16xi32>
        %mul3A_282 = arith.muli %shift_right_logical3A_279, %mul3A_281 : vector<16xi32>
        %mul3A_283 = arith.constant 8 : i32
        %mul3A_284 = vector.broadcast %mul3A_283 : i32 to vector<16xi32>
        %mul3A_285 = arith.muli %and3A_265, %mul3A_284 : vector<16xi32>
        %add3A_286 = arith.addi %mul3A_282, %mul3A_285 : vector<16xi32>
        %and3A_287 = arith.constant 7 : i32
        %and3A_288 = vector.broadcast %and3A_287 : i32 to vector<16xi32>
        %and3A_289 = arith.andi %gather3A_276, %and3A_288 : vector<16xi32>
        %add3A_290 = arith.addi %add3A_286, %and3A_289 : vector<16xi32>
        %dma_start3A_291 = arith.constant 0 : i32
        %dma_start3A_292 = arith.constant 16 : i32
        %dma_start3A_293 = arith.constant 0 : i32
        %dma_start3A_294 = tpu.memref_slice %arg7[%dma_start3A_291, %dma_start3A_292, %dma_start3A_293] : memref<4x128x128xf32, #tpu.memory_space<vmem>> -> memref<1x16x128xf32, #tpu.memory_space<vmem>>
        %dma_start3A_295 = tpu.memref_squeeze %dma_start3A_294 : memref<1x16x128xf32, #tpu.memory_space<vmem>> -> memref<16x128xf32, #tpu.memory_space<vmem>>
        %dma_start3A_296 = arith.constant 0 : i32
        %dma_start3A_297 = arith.constant 0 : i32
        %dma_start3A_298 = tpu.memref_slice %arg4[%dma_start3A_296, %dma_start3A_297] : memref<800000x128xf32, #tpu.memory_space<hbm>> -> memref<800000x128xf32, #tpu.memory_space<hbm>>
        tpu.enqueue_indirect_dma source(%dma_start3A_298 : memref<800000x128xf32, #tpu.memory_space<hbm>>) target(%dma_start3A_295 : memref<16x128xf32, #tpu.memory_space<vmem>>) offsets(%add3A_290 : vector<16xi32>) semaphore(%arg9 : memref<!tpu.dma_semaphore, #tpu.memory_space<semaphore_mem>>)
        %add3A_299 = arith.constant 32 : i32
        %add3A_300 = vector.broadcast %add3A_299 : i32 to vector<16xi32>
        %add3A_301 = arith.addi %add3A_300, %iota3A : vector<16xi32>
        %shift_right_logical3A_302 = arith.constant 5 : i32
        %shift_right_logical3A_303 = vector.broadcast %shift_right_logical3A_302 : i32 to vector<16xi32>
        %shift_right_logical3A_304 = arith.shrui %add3A_301, %shift_right_logical3A_303 : vector<16xi32>
        %shift_right_logical3A_305 = arith.constant 2 : i32
        %shift_right_logical3A_306 = vector.broadcast %shift_right_logical3A_305 : i32 to vector<16xi32>
        %shift_right_logical3A_307 = arith.shrui %add3A_301, %shift_right_logical3A_306 : vector<16xi32>
        %and3A_308 = arith.constant 7 : i32
        %and3A_309 = vector.broadcast %and3A_308 : i32 to vector<16xi32>
        %and3A_310 = arith.andi %shift_right_logical3A_307, %and3A_309 : vector<16xi32>
        %and3A_311 = arith.constant 3 : i32
        %and3A_312 = vector.broadcast %and3A_311 : i32 to vector<16xi32>
        %and3A_313 = arith.andi %add3A_301, %and3A_312 : vector<16xi32>
        %add3A_314 = vector.broadcast %mul3A_61 : i32 to vector<16xi32>
        %add3A_315 = arith.addi %add3A_314, %and3A_313 : vector<16xi32>
        %mul3A_316 = arith.constant 4 : i32
        %mul3A_317 = arith.muli %add3A_116, %mul3A_316 : i32
        %add3A_318 = arith.addi %mul3A_79, %mul3A_317 : i32
        %add3A_319 = vector.broadcast %add3A_318 : i32 to vector<16xi32>
        %add3A_320 = arith.addi %add3A_319, %shift_right_logical3A_304 : vector<16xi32>
        %gather3A_321 = tpu.vector_load_idx %arg6[%add3A_315, %add3A_320] : memref<8x128xi32, #tpu.memory_space<vmem>>[vector<16xi32>, vector<16xi32>], vector<16xi32>,
        %shift_right_logical3A_322 = arith.constant 3 : i32
        %shift_right_logical3A_323 = vector.broadcast %shift_right_logical3A_322 : i32 to vector<16xi32>
        %shift_right_logical3A_324 = arith.shrui %gather3A_321, %shift_right_logical3A_323 : vector<16xi32>
        %mul3A_325 = arith.constant 64 : i32
        %mul3A_326 = vector.broadcast %mul3A_325 : i32 to vector<16xi32>
        %mul3A_327 = arith.muli %shift_right_logical3A_324, %mul3A_326 : vector<16xi32>
        %mul3A_328 = arith.constant 8 : i32
        %mul3A_329 = vector.broadcast %mul3A_328 : i32 to vector<16xi32>
        %mul3A_330 = arith.muli %and3A_310, %mul3A_329 : vector<16xi32>
        %add3A_331 = arith.addi %mul3A_327, %mul3A_330 : vector<16xi32>
        %and3A_332 = arith.constant 7 : i32
        %and3A_333 = vector.broadcast %and3A_332 : i32 to vector<16xi32>
        %and3A_334 = arith.andi %gather3A_321, %and3A_333 : vector<16xi32>
        %add3A_335 = arith.addi %add3A_331, %and3A_334 : vector<16xi32>
        %dma_start3A_336 = arith.constant 0 : i32
        %dma_start3A_337 = arith.constant 32 : i32
        %dma_start3A_338 = arith.constant 0 : i32
        %dma_start3A_339 = tpu.memref_slice %arg7[%dma_start3A_336, %dma_start3A_337, %dma_start3A_338] : memref<4x128x128xf32, #tpu.memory_space<vmem>> -> memref<1x16x128xf32, #tpu.memory_space<vmem>>
        %dma_start3A_340 = tpu.memref_squeeze %dma_start3A_339 : memref<1x16x128xf32, #tpu.memory_space<vmem>> -> memref<16x128xf32, #tpu.memory_space<vmem>>
        %dma_start3A_341 = arith.constant 0 : i32
        %dma_start3A_342 = arith.constant 0 : i32
        %dma_start3A_343 = tpu.memref_slice %arg4[%dma_start3A_341, %dma_start3A_342] : memref<800000x128xf32, #tpu.memory_space<hbm>> -> memref<800000x128xf32, #tpu.memory_space<hbm>>
        tpu.enqueue_indirect_dma source(%dma_start3A_343 : memref<800000x128xf32, #tpu.memory_space<hbm>>) target(%dma_start3A_340 : memref<16x128xf32, #tpu.memory_space<vmem>>) offsets(%add3A_335 : vector<16xi32>) semaphore(%arg9 : memref<!tpu.dma_semaphore, #tpu.memory_space<semaphore_mem>>)
        %add3A_344 = arith.constant 48 : i32
        %add3A_345 = vector.broadcast %add3A_344 : i32 to vector<16xi32>
        %add3A_346 = arith.addi %add3A_345, %iota3A : vector<16xi32>
        %shift_right_logical3A_347 = arith.constant 5 : i32
        %shift_right_logical3A_348 = vector.broadcast %shift_right_logical3A_347 : i32 to vector<16xi32>
        %shift_right_logical3A_349 = arith.shrui %add3A_346, %shift_right_logical3A_348 : vector<16xi32>
        %shift_right_logical3A_350 = arith.constant 2 : i32
        %shift_right_logical3A_351 = vector.broadcast %shift_right_logical3A_350 : i32 to vector<16xi32>
        %shift_right_logical3A_352 = arith.shrui %add3A_346, %shift_right_logical3A_351 : vector<16xi32>
        %and3A_353 = arith.constant 7 : i32
        %and3A_354 = vector.broadcast %and3A_353 : i32 to vector<16xi32>
        %and3A_355 = arith.andi %shift_right_logical3A_352, %and3A_354 : vector<16xi32>
        %and3A_356 = arith.constant 3 : i32
        %and3A_357 = vector.broadcast %and3A_356 : i32 to vector<16xi32>
        %and3A_358 = arith.andi %add3A_346, %and3A_357 : vector<16xi32>
        %add3A_359 = vector.broadcast %mul3A_61 : i32 to vector<16xi32>
        %add3A_360 = arith.addi %add3A_359, %and3A_358 : vector<16xi32>
        %mul3A_361 = arith.constant 4 : i32
        %mul3A_362 = arith.muli %add3A_116, %mul3A_361 : i32
        %add3A_363 = arith.addi %mul3A_79, %mul3A_362 : i32
        %add3A_364 = vector.broadcast %add3A_363 : i32 to vector<16xi32>
        %add3A_365 = arith.addi %add3A_364, %shift_right_logical3A_349 : vector<16xi32>
        %gather3A_366 = tpu.vector_load_idx %arg6[%add3A_360, %add3A_365] : memref<8x128xi32, #tpu.memory_space<vmem>>[vector<16xi32>, vector<16xi32>], vector<16xi32>,
        %shift_right_logical3A_367 = arith.constant 3 : i32
        %shift_right_logical3A_368 = vector.broadcast %shift_right_logical3A_367 : i32 to vector<16xi32>
        %shift_right_logical3A_369 = arith.shrui %gather3A_366, %shift_right_logical3A_368 : vector<16xi32>
        %mul3A_370 = arith.constant 64 : i32
        %mul3A_371 = vector.broadcast %mul3A_370 : i32 to vector<16xi32>
        %mul3A_372 = arith.muli %shift_right_logical3A_369, %mul3A_371 : vector<16xi32>
        %mul3A_373 = arith.constant 8 : i32
        %mul3A_374 = vector.broadcast %mul3A_373 : i32 to vector<16xi32>
        %mul3A_375 = arith.muli %and3A_355, %mul3A_374 : vector<16xi32>
        %add3A_376 = arith.addi %mul3A_372, %mul3A_375 : vector<16xi32>
        %and3A_377 = arith.constant 7 : i32
        %and3A_378 = vector.broadcast %and3A_377 : i32 to vector<16xi32>
        %and3A_379 = arith.andi %gather3A_366, %and3A_378 : vector<16xi32>
        %add3A_380 = arith.addi %add3A_376, %and3A_379 : vector<16xi32>
        %dma_start3A_381 = arith.constant 0 : i32
        %dma_start3A_382 = arith.constant 48 : i32
        %dma_start3A_383 = arith.constant 0 : i32
        %dma_start3A_384 = tpu.memref_slice %arg7[%dma_start3A_381, %dma_start3A_382, %dma_start3A_383] : memref<4x128x128xf32, #tpu.memory_space<vmem>> -> memref<1x16x128xf32, #tpu.memory_space<vmem>>
        %dma_start3A_385 = tpu.memref_squeeze %dma_start3A_384 : memref<1x16x128xf32, #tpu.memory_space<vmem>> -> memref<16x128xf32, #tpu.memory_space<vmem>>
        %dma_start3A_386 = arith.constant 0 : i32
        %dma_start3A_387 = arith.constant 0 : i32
        %dma_start3A_388 = tpu.memref_slice %arg4[%dma_start3A_386, %dma_start3A_387] : memref<800000x128xf32, #tpu.memory_space<hbm>> -> memref<800000x128xf32, #tpu.memory_space<hbm>>
        tpu.enqueue_indirect_dma source(%dma_start3A_388 : memref<800000x128xf32, #tpu.memory_space<hbm>>) target(%dma_start3A_385 : memref<16x128xf32, #tpu.memory_space<vmem>>) offsets(%add3A_380 : vector<16xi32>) semaphore(%arg9 : memref<!tpu.dma_semaphore, #tpu.memory_space<semaphore_mem>>)
        %add3A_389 = arith.constant 64 : i32
        %add3A_390 = vector.broadcast %add3A_389 : i32 to vector<16xi32>
        %add3A_391 = arith.addi %add3A_390, %iota3A : vector<16xi32>
        %shift_right_logical3A_392 = arith.constant 5 : i32
        %shift_right_logical3A_393 = vector.broadcast %shift_right_logical3A_392 : i32 to vector<16xi32>
        %shift_right_logical3A_394 = arith.shrui %add3A_391, %shift_right_logical3A_393 : vector<16xi32>
        %shift_right_logical3A_395 = arith.constant 2 : i32
        %shift_right_logical3A_396 = vector.broadcast %shift_right_logical3A_395 : i32 to vector<16xi32>
        %shift_right_logical3A_397 = arith.shrui %add3A_391, %shift_right_logical3A_396 : vector<16xi32>
        %and3A_398 = arith.constant 7 : i32
        %and3A_399 = vector.broadcast %and3A_398 : i32 to vector<16xi32>
        %and3A_400 = arith.andi %shift_right_logical3A_397, %and3A_399 : vector<16xi32>
        %and3A_401 = arith.constant 3 : i32
        %and3A_402 = vector.broadcast %and3A_401 : i32 to vector<16xi32>
        %and3A_403 = arith.andi %add3A_391, %and3A_402 : vector<16xi32>
        %add3A_404 = vector.broadcast %mul3A_61 : i32 to vector<16xi32>
        %add3A_405 = arith.addi %add3A_404, %and3A_403 : vector<16xi32>
        %mul3A_406 = arith.constant 4 : i32
        %mul3A_407 = arith.muli %add3A_116, %mul3A_406 : i32
        %add3A_408 = arith.addi %mul3A_79, %mul3A_407 : i32
        %add3A_409 = vector.broadcast %add3A_408 : i32 to vector<16xi32>
        %add3A_410 = arith.addi %add3A_409, %shift_right_logical3A_394 : vector<16xi32>
        %gather3A_411 = tpu.vector_load_idx %arg6[%add3A_405, %add3A_410] : memref<8x128xi32, #tpu.memory_space<vmem>>[vector<16xi32>, vector<16xi32>], vector<16xi32>,
        %shift_right_logical3A_412 = arith.constant 3 : i32
        %shift_right_logical3A_413 = vector.broadcast %shift_right_logical3A_412 : i32 to vector<16xi32>
        %shift_right_logical3A_414 = arith.shrui %gather3A_411, %shift_right_logical3A_413 : vector<16xi32>
        %mul3A_415 = arith.constant 64 : i32
        %mul3A_416 = vector.broadcast %mul3A_415 : i32 to vector<16xi32>
        %mul3A_417 = arith.muli %shift_right_logical3A_414, %mul3A_416 : vector<16xi32>
        %mul3A_418 = arith.constant 8 : i32
        %mul3A_419 = vector.broadcast %mul3A_418 : i32 to vector<16xi32>
        %mul3A_420 = arith.muli %and3A_400, %mul3A_419 : vector<16xi32>
        %add3A_421 = arith.addi %mul3A_417, %mul3A_420 : vector<16xi32>
        %and3A_422 = arith.constant 7 : i32
        %and3A_423 = vector.broadcast %and3A_422 : i32 to vector<16xi32>
        %and3A_424 = arith.andi %gather3A_411, %and3A_423 : vector<16xi32>
        %add3A_425 = arith.addi %add3A_421, %and3A_424 : vector<16xi32>
        %dma_start3A_426 = arith.constant 0 : i32
        %dma_start3A_427 = arith.constant 64 : i32
        %dma_start3A_428 = arith.constant 0 : i32
        %dma_start3A_429 = tpu.memref_slice %arg7[%dma_start3A_426, %dma_start3A_427, %dma_start3A_428] : memref<4x128x128xf32, #tpu.memory_space<vmem>> -> memref<1x16x128xf32, #tpu.memory_space<vmem>>
        %dma_start3A_430 = tpu.memref_squeeze %dma_start3A_429 : memref<1x16x128xf32, #tpu.memory_space<vmem>> -> memref<16x128xf32, #tpu.memory_space<vmem>>
        %dma_start3A_431 = arith.constant 0 : i32
        %dma_start3A_432 = arith.constant 0 : i32
        %dma_start3A_433 = tpu.memref_slice %arg4[%dma_start3A_431, %dma_start3A_432] : memref<800000x128xf32, #tpu.memory_space<hbm>> -> memref<800000x128xf32, #tpu.memory_space<hbm>>
        tpu.enqueue_indirect_dma source(%dma_start3A_433 : memref<800000x128xf32, #tpu.memory_space<hbm>>) target(%dma_start3A_430 : memref<16x128xf32, #tpu.memory_space<vmem>>) offsets(%add3A_425 : vector<16xi32>) semaphore(%arg9 : memref<!tpu.dma_semaphore, #tpu.memory_space<semaphore_mem>>)
        %add3A_434 = arith.constant 80 : i32
        %add3A_435 = vector.broadcast %add3A_434 : i32 to vector<16xi32>
        %add3A_436 = arith.addi %add3A_435, %iota3A : vector<16xi32>
        %shift_right_logical3A_437 = arith.constant 5 : i32
        %shift_right_logical3A_438 = vector.broadcast %shift_right_logical3A_437 : i32 to vector<16xi32>
        %shift_right_logical3A_439 = arith.shrui %add3A_436, %shift_right_logical3A_438 : vector<16xi32>
        %shift_right_logical3A_440 = arith.constant 2 : i32
        %shift_right_logical3A_441 = vector.broadcast %shift_right_logical3A_440 : i32 to vector<16xi32>
        %shift_right_logical3A_442 = arith.shrui %add3A_436, %shift_right_logical3A_441 : vector<16xi32>
        %and3A_443 = arith.constant 7 : i32
        %and3A_444 = vector.broadcast %and3A_443 : i32 to vector<16xi32>
        %and3A_445 = arith.andi %shift_right_logical3A_442, %and3A_444 : vector<16xi32>
        %and3A_446 = arith.constant 3 : i32
        %and3A_447 = vector.broadcast %and3A_446 : i32 to vector<16xi32>
        %and3A_448 = arith.andi %add3A_436, %and3A_447 : vector<16xi32>
        %add3A_449 = vector.broadcast %mul3A_61 : i32 to vector<16xi32>
        %add3A_450 = arith.addi %add3A_449, %and3A_448 : vector<16xi32>
        %mul3A_451 = arith.constant 4 : i32
        %mul3A_452 = arith.muli %add3A_116, %mul3A_451 : i32
        %add3A_453 = arith.addi %mul3A_79, %mul3A_452 : i32
        %add3A_454 = vector.broadcast %add3A_453 : i32 to vector<16xi32>
        %add3A_455 = arith.addi %add3A_454, %shift_right_logical3A_439 : vector<16xi32>
        %gather3A_456 = tpu.vector_load_idx %arg6[%add3A_450, %add3A_455] : memref<8x128xi32, #tpu.memory_space<vmem>>[vector<16xi32>, vector<16xi32>], vector<16xi32>,
        %shift_right_logical3A_457 = arith.constant 3 : i32
        %shift_right_logical3A_458 = vector.broadcast %shift_right_logical3A_457 : i32 to vector<16xi32>
        %shift_right_logical3A_459 = arith.shrui %gather3A_456, %shift_right_logical3A_458 : vector<16xi32>
        %mul3A_460 = arith.constant 64 : i32
        %mul3A_461 = vector.broadcast %mul3A_460 : i32 to vector<16xi32>
        %mul3A_462 = arith.muli %shift_right_logical3A_459, %mul3A_461 : vector<16xi32>
        %mul3A_463 = arith.constant 8 : i32
        %mul3A_464 = vector.broadcast %mul3A_463 : i32 to vector<16xi32>
        %mul3A_465 = arith.muli %and3A_445, %mul3A_464 : vector<16xi32>
        %add3A_466 = arith.addi %mul3A_462, %mul3A_465 : vector<16xi32>
        %and3A_467 = arith.constant 7 : i32
        %and3A_468 = vector.broadcast %and3A_467 : i32 to vector<16xi32>
        %and3A_469 = arith.andi %gather3A_456, %and3A_468 : vector<16xi32>
        %add3A_470 = arith.addi %add3A_466, %and3A_469 : vector<16xi32>
        %dma_start3A_471 = arith.constant 0 : i32
        %dma_start3A_472 = arith.constant 80 : i32
        %dma_start3A_473 = arith.constant 0 : i32
        %dma_start3A_474 = tpu.memref_slice %arg7[%dma_start3A_471, %dma_start3A_472, %dma_start3A_473] : memref<4x128x128xf32, #tpu.memory_space<vmem>> -> memref<1x16x128xf32, #tpu.memory_space<vmem>>
        %dma_start3A_475 = tpu.memref_squeeze %dma_start3A_474 : memref<1x16x128xf32, #tpu.memory_space<vmem>> -> memref<16x128xf32, #tpu.memory_space<vmem>>
        %dma_start3A_476 = arith.constant 0 : i32
        %dma_start3A_477 = arith.constant 0 : i32
        %dma_start3A_478 = tpu.memref_slice %arg4[%dma_start3A_476, %dma_start3A_477] : memref<800000x128xf32, #tpu.memory_space<hbm>> -> memref<800000x128xf32, #tpu.memory_space<hbm>>
        tpu.enqueue_indirect_dma source(%dma_start3A_478 : memref<800000x128xf32, #tpu.memory_space<hbm>>) target(%dma_start3A_475 : memref<16x128xf32, #tpu.memory_space<vmem>>) offsets(%add3A_470 : vector<16xi32>) semaphore(%arg9 : memref<!tpu.dma_semaphore, #tpu.memory_space<semaphore_mem>>)
        %add3A_479 = arith.constant 96 : i32
        %add3A_480 = vector.broadcast %add3A_479 : i32 to vector<16xi32>
        %add3A_481 = arith.addi %add3A_480, %iota3A : vector<16xi32>
        %shift_right_logical3A_482 = arith.constant 5 : i32
        %shift_right_logical3A_483 = vector.broadcast %shift_right_logical3A_482 : i32 to vector<16xi32>
        %shift_right_logical3A_484 = arith.shrui %add3A_481, %shift_right_logical3A_483 : vector<16xi32>
        %shift_right_logical3A_485 = arith.constant 2 : i32
        %shift_right_logical3A_486 = vector.broadcast %shift_right_logical3A_485 : i32 to vector<16xi32>
        %shift_right_logical3A_487 = arith.shrui %add3A_481, %shift_right_logical3A_486 : vector<16xi32>
        %and3A_488 = arith.constant 7 : i32
        %and3A_489 = vector.broadcast %and3A_488 : i32 to vector<16xi32>
        %and3A_490 = arith.andi %shift_right_logical3A_487, %and3A_489 : vector<16xi32>
        %and3A_491 = arith.constant 3 : i32
        %and3A_492 = vector.broadcast %and3A_491 : i32 to vector<16xi32>
        %and3A_493 = arith.andi %add3A_481, %and3A_492 : vector<16xi32>
        %add3A_494 = vector.broadcast %mul3A_61 : i32 to vector<16xi32>
        %add3A_495 = arith.addi %add3A_494, %and3A_493 : vector<16xi32>
        %mul3A_496 = arith.constant 4 : i32
        %mul3A_497 = arith.muli %add3A_116, %mul3A_496 : i32
        %add3A_498 = arith.addi %mul3A_79, %mul3A_497 : i32
        %add3A_499 = vector.broadcast %add3A_498 : i32 to vector<16xi32>
        %add3A_500 = arith.addi %add3A_499, %shift_right_logical3A_484 : vector<16xi32>
        %gather3A_501 = tpu.vector_load_idx %arg6[%add3A_495, %add3A_500] : memref<8x128xi32, #tpu.memory_space<vmem>>[vector<16xi32>, vector<16xi32>], vector<16xi32>,
        %shift_right_logical3A_502 = arith.constant 3 : i32
        %shift_right_logical3A_503 = vector.broadcast %shift_right_logical3A_502 : i32 to vector<16xi32>
        %shift_right_logical3A_504 = arith.shrui %gather3A_501, %shift_right_logical3A_503 : vector<16xi32>
        %mul3A_505 = arith.constant 64 : i32
        %mul3A_506 = vector.broadcast %mul3A_505 : i32 to vector<16xi32>
        %mul3A_507 = arith.muli %shift_right_logical3A_504, %mul3A_506 : vector<16xi32>
        %mul3A_508 = arith.constant 8 : i32
        %mul3A_509 = vector.broadcast %mul3A_508 : i32 to vector<16xi32>
        %mul3A_510 = arith.muli %and3A_490, %mul3A_509 : vector<16xi32>
        %add3A_511 = arith.addi %mul3A_507, %mul3A_510 : vector<16xi32>
        %and3A_512 = arith.constant 7 : i32
        %and3A_513 = vector.broadcast %and3A_512 : i32 to vector<16xi32>
        %and3A_514 = arith.andi %gather3A_501, %and3A_513 : vector<16xi32>
        %add3A_515 = arith.addi %add3A_511, %and3A_514 : vector<16xi32>
        %dma_start3A_516 = arith.constant 0 : i32
        %dma_start3A_517 = arith.constant 96 : i32
        %dma_start3A_518 = arith.constant 0 : i32
        %dma_start3A_519 = tpu.memref_slice %arg7[%dma_start3A_516, %dma_start3A_517, %dma_start3A_518] : memref<4x128x128xf32, #tpu.memory_space<vmem>> -> memref<1x16x128xf32, #tpu.memory_space<vmem>>
        %dma_start3A_520 = tpu.memref_squeeze %dma_start3A_519 : memref<1x16x128xf32, #tpu.memory_space<vmem>> -> memref<16x128xf32, #tpu.memory_space<vmem>>
        %dma_start3A_521 = arith.constant 0 : i32
        %dma_start3A_522 = arith.constant 0 : i32
        %dma_start3A_523 = tpu.memref_slice %arg4[%dma_start3A_521, %dma_start3A_522] : memref<800000x128xf32, #tpu.memory_space<hbm>> -> memref<800000x128xf32, #tpu.memory_space<hbm>>
        tpu.enqueue_indirect_dma source(%dma_start3A_523 : memref<800000x128xf32, #tpu.memory_space<hbm>>) target(%dma_start3A_520 : memref<16x128xf32, #tpu.memory_space<vmem>>) offsets(%add3A_515 : vector<16xi32>) semaphore(%arg9 : memref<!tpu.dma_semaphore, #tpu.memory_space<semaphore_mem>>)
        %add3A_524 = arith.constant 112 : i32
        %add3A_525 = vector.broadcast %add3A_524 : i32 to vector<16xi32>
        %add3A_526 = arith.addi %add3A_525, %iota3A : vector<16xi32>
        %shift_right_logical3A_527 = arith.constant 5 : i32
        %shift_right_logical3A_528 = vector.broadcast %shift_right_logical3A_527 : i32 to vector<16xi32>
        %shift_right_logical3A_529 = arith.shrui %add3A_526, %shift_right_logical3A_528 : vector<16xi32>
        %shift_right_logical3A_530 = arith.constant 2 : i32
        %shift_right_logical3A_531 = vector.broadcast %shift_right_logical3A_530 : i32 to vector<16xi32>
        %shift_right_logical3A_532 = arith.shrui %add3A_526, %shift_right_logical3A_531 : vector<16xi32>
        %and3A_533 = arith.constant 7 : i32
        %and3A_534 = vector.broadcast %and3A_533 : i32 to vector<16xi32>
        %and3A_535 = arith.andi %shift_right_logical3A_532, %and3A_534 : vector<16xi32>
        %and3A_536 = arith.constant 3 : i32
        %and3A_537 = vector.broadcast %and3A_536 : i32 to vector<16xi32>
        %and3A_538 = arith.andi %add3A_526, %and3A_537 : vector<16xi32>
        %add3A_539 = vector.broadcast %mul3A_61 : i32 to vector<16xi32>
        %add3A_540 = arith.addi %add3A_539, %and3A_538 : vector<16xi32>
        %mul3A_541 = arith.constant 4 : i32
        %mul3A_542 = arith.muli %add3A_116, %mul3A_541 : i32
        %add3A_543 = arith.addi %mul3A_79, %mul3A_542 : i32
        %add3A_544 = vector.broadcast %add3A_543 : i32 to vector<16xi32>
        %add3A_545 = arith.addi %add3A_544, %shift_right_logical3A_529 : vector<16xi32>
        %gather3A_546 = tpu.vector_load_idx %arg6[%add3A_540, %add3A_545] : memref<8x128xi32, #tpu.memory_space<vmem>>[vector<16xi32>, vector<16xi32>], vector<16xi32>,
        %shift_right_logical3A_547 = arith.constant 3 : i32
        %shift_right_logical3A_548 = vector.broadcast %shift_right_logical3A_547 : i32 to vector<16xi32>
        %shift_right_logical3A_549 = arith.shrui %gather3A_546, %shift_right_logical3A_548 : vector<16xi32>
        %mul3A_550 = arith.constant 64 : i32
        %mul3A_551 = vector.broadcast %mul3A_550 : i32 to vector<16xi32>
        %mul3A_552 = arith.muli %shift_right_logical3A_549, %mul3A_551 : vector<16xi32>
        %mul3A_553 = arith.constant 8 : i32
        %mul3A_554 = vector.broadcast %mul3A_553 : i32 to vector<16xi32>
        %mul3A_555 = arith.muli %and3A_535, %mul3A_554 : vector<16xi32>
        %add3A_556 = arith.addi %mul3A_552, %mul3A_555 : vector<16xi32>
        %and3A_557 = arith.constant 7 : i32
        %and3A_558 = vector.broadcast %and3A_557 : i32 to vector<16xi32>
        %and3A_559 = arith.andi %gather3A_546, %and3A_558 : vector<16xi32>
        %add3A_560 = arith.addi %add3A_556, %and3A_559 : vector<16xi32>
        %dma_start3A_561 = arith.constant 0 : i32
        %dma_start3A_562 = arith.constant 112 : i32
        %dma_start3A_563 = arith.constant 0 : i32
        %dma_start3A_564 = tpu.memref_slice %arg7[%dma_start3A_561, %dma_start3A_562, %dma_start3A_563] : memref<4x128x128xf32, #tpu.memory_space<vmem>> -> memref<1x16x128xf32, #tpu.memory_space<vmem>>
        %dma_start3A_565 = tpu.memref_squeeze %dma_start3A_564 : memref<1x16x128xf32, #tpu.memory_space<vmem>> -> memref<16x128xf32, #tpu.memory_space<vmem>>
        %dma_start3A_566 = arith.constant 0 : i32
        %dma_start3A_567 = arith.constant 0 : i32
        %dma_start3A_568 = tpu.memref_slice %arg4[%dma_start3A_566, %dma_start3A_567] : memref<800000x128xf32, #tpu.memory_space<hbm>> -> memref<800000x128xf32, #tpu.memory_space<hbm>>
        tpu.enqueue_indirect_dma source(%dma_start3A_568 : memref<800000x128xf32, #tpu.memory_space<hbm>>) target(%dma_start3A_565 : memref<16x128xf32, #tpu.memory_space<vmem>>) offsets(%add3A_560 : vector<16xi32>) semaphore(%arg9 : memref<!tpu.dma_semaphore, #tpu.memory_space<semaphore_mem>>)
      } else {
      }
      %ge3A_129 = arith.constant 2 : i32
      %ge3A_130 = arith.cmpi sge, %add3A_116, %ge3A_129 : i32
      %lt3A_131 = arith.constant 18 : i32
      %lt3A_132 = arith.cmpi slt, %add3A_116, %lt3A_131 : i32
      %and3A_133 = arith.andi %ge3A_130, %lt3A_132 : i1
      %convert_element_type3A_134 = arith.extui %and3A_133 : i1 to i32
      %cond3A_135 = arith.constant 0 : i32
      %cond3A_136 = arith.cmpi ne, %convert_element_type3A_134, %cond3A_135 : i32
      scf.if %cond3A_136 {
        %dma_wait3A = arith.constant 2 : i32
        %dma_wait3A_212 = arith.constant 0 : i32
        %dma_wait3A_213 = arith.constant 0 : i32
        %dma_wait3A_214 = tpu.memref_slice %arg7[%dma_wait3A, %dma_wait3A_212, %dma_wait3A_213] : memref<4x128x128xf32, #tpu.memory_space<vmem>> -> memref<1x128x128xf32, #tpu.memory_space<vmem>>
        %dma_wait3A_215 = tpu.memref_squeeze %dma_wait3A_214 : memref<1x128x128xf32, #tpu.memory_space<vmem>> -> memref<128x128xf32, #tpu.memory_space<vmem>>
        %dma_wait3A_216 = arith.constant 0 : i32
        %dma_wait3A_217 = arith.constant 0 : i32
        %dma_wait3A_218 = tpu.memref_slice %arg4[%dma_wait3A_216, %dma_wait3A_217] : memref<800000x128xf32, #tpu.memory_space<hbm>> -> memref<128x128xf32, #tpu.memory_space<hbm>>
        %dma_wait3A_219 = arith.constant 0 : i32
        %dma_wait3A_220 = arith.constant 0 : i32
        %dma_wait3A_221 = tpu.memref_slice %arg7[%dma_wait3A, %dma_wait3A_219, %dma_wait3A_220] : memref<4x128x128xf32, #tpu.memory_space<vmem>> -> memref<1x128x128xf32, #tpu.memory_space<vmem>>
        %dma_wait3A_222 = tpu.memref_squeeze %dma_wait3A_221 : memref<1x128x128xf32, #tpu.memory_space<vmem>> -> memref<128x128xf32, #tpu.memory_space<vmem>>
        %dma_wait3A_223 = arith.constant 0 : i32
        %dma_wait3A_224 = arith.constant 0 : i32
        %dma_wait3A_225 = tpu.memref_slice %arg4[%dma_wait3A_223, %dma_wait3A_224] : memref<800000x128xf32, #tpu.memory_space<hbm>> -> memref<128x128xf32, #tpu.memory_space<hbm>>
        tpu.wait_dma2 semaphore(%arg11 : memref<!tpu.dma_semaphore, #tpu.memory_space<semaphore_mem>>) src(%dma_wait3A_225 : memref<128x128xf32, #tpu.memory_space<hbm>>) dst(%dma_wait3A_222 : memref<128x128xf32, #tpu.memory_space<vmem>>)
        %sub3A_226 = arith.constant 2 : i32
        %sub3A_227 = arith.subi %add3A_116, %sub3A_226 : i32
        %add3A_228 = arith.constant 20 : i32
        %add3A_229 = arith.addi %add3A_228, %multiple_of3A : i32
        %mul3A_230 = arith.constant 4 : i32
        %mul3A_231 = arith.muli %sub3A_227, %mul3A_230 : i32
        %add3A_232 = arith.addi %add3A_229, %mul3A_231 : i32
        %mul3A_233 = arith.constant 32 : i32
        %mul3A_234 = arith.muli %add3A_232, %mul3A_233 : i32
        %multiple_of3A_235 = tpu.assume_multiple %mul3A_234, 128 : i32
        %dma_start3A = arith.constant 2 : i32
        %dma_start3A_236 = arith.constant 0 : i32
        %dma_start3A_237 = arith.constant 0 : i32
        %dma_start3A_238 = tpu.memref_slice %arg7[%dma_start3A, %dma_start3A_236, %dma_start3A_237] : memref<4x128x128xf32, #tpu.memory_space<vmem>> -> memref<1x128x128xf32, #tpu.memory_space<vmem>>
        %dma_start3A_239 = tpu.memref_squeeze %dma_start3A_238 : memref<1x128x128xf32, #tpu.memory_space<vmem>> -> memref<128x128xf32, #tpu.memory_space<vmem>>
        %dma_start3A_240 = arith.constant 0 : i32
        %dma_start3A_241 = tpu.memref_slice %arg5[%multiple_of3A_235, %dma_start3A_240] : memref<66176x128xf32, #tpu.memory_space<hbm>> -> memref<128x128xf32, #tpu.memory_space<hbm>>
        %dma_start3A_242 = arith.constant 0 : i32
        %dma_start3A_243 = tpu.memref_slice %arg5[%multiple_of3A_235, %dma_start3A_242] : memref<66176x128xf32, #tpu.memory_space<hbm>> -> memref<128x128xf32, #tpu.memory_space<hbm>>
        %dma_start3A_244 = arith.constant 0 : i32
        %dma_start3A_245 = arith.constant 0 : i32
        %dma_start3A_246 = tpu.memref_slice %arg7[%dma_start3A, %dma_start3A_244, %dma_start3A_245] : memref<4x128x128xf32, #tpu.memory_space<vmem>> -> memref<1x128x128xf32, #tpu.memory_space<vmem>>
        %dma_start3A_247 = tpu.memref_squeeze %dma_start3A_246 : memref<1x128x128xf32, #tpu.memory_space<vmem>> -> memref<128x128xf32, #tpu.memory_space<vmem>>
        tpu.enqueue_dma source(%dma_start3A_247 : memref<128x128xf32, #tpu.memory_space<vmem>>) target(%dma_start3A_243 : memref<128x128xf32, #tpu.memory_space<hbm>>) target_semaphore(%arg15 : memref<!tpu.dma_semaphore, #tpu.memory_space<semaphore_mem>>)
      } else {
      }
      %mul3A_137 = arith.constant 4 : i32
      %mul3A_138 = arith.muli %mul3A_137, %scan3A_112 : i32
      %add3A_139 = arith.constant 1 : i32
      %add3A_140 = arith.addi %mul3A_138, %add3A_139 : i32
      %ge3A_141 = arith.constant 4 : i32
      %ge3A_142 = arith.cmpi sge, %add3A_140, %ge3A_141 : i32
      %lt3A_143 = arith.constant 20 : i32
      %lt3A_144 = arith.cmpi slt, %add3A_140, %lt3A_143 : i32
      %and3A_145 = arith.andi %ge3A_142, %lt3A_144 : i1
      %convert_element_type3A_146 = arith.extui %and3A_145 : i1 to i32
      %cond3A_147 = arith.constant 0 : i32
      %cond3A_148 = arith.cmpi ne, %convert_element_type3A_146, %cond3A_147 : i32
      scf.if %cond3A_148 {
        %dma_wait3A = arith.constant 1 : i32
        %dma_wait3A_212 = arith.constant 0 : i32
        %dma_wait3A_213 = arith.constant 0 : i32
        %dma_wait3A_214 = tpu.memref_slice %arg7[%dma_wait3A, %dma_wait3A_212, %dma_wait3A_213] : memref<4x128x128xf32, #tpu.memory_space<vmem>> -> memref<1x128x128xf32, #tpu.memory_space<vmem>>
        %dma_wait3A_215 = tpu.memref_squeeze %dma_wait3A_214 : memref<1x128x128xf32, #tpu.memory_space<vmem>> -> memref<128x128xf32, #tpu.memory_space<vmem>>
        %dma_wait3A_216 = arith.constant 0 : i32
        %dma_wait3A_217 = arith.constant 0 : i32
        %dma_wait3A_218 = tpu.memref_slice %arg5[%dma_wait3A_216, %dma_wait3A_217] : memref<66176x128xf32, #tpu.memory_space<hbm>> -> memref<128x128xf32, #tpu.memory_space<hbm>>
        %dma_wait3A_219 = arith.constant 0 : i32
        %dma_wait3A_220 = arith.constant 0 : i32
        %dma_wait3A_221 = tpu.memref_slice %arg5[%dma_wait3A_219, %dma_wait3A_220] : memref<66176x128xf32, #tpu.memory_space<hbm>> -> memref<128x128xf32, #tpu.memory_space<hbm>>
        %dma_wait3A_222 = arith.constant 0 : i32
        %dma_wait3A_223 = arith.constant 0 : i32
        %dma_wait3A_224 = tpu.memref_slice %arg7[%dma_wait3A, %dma_wait3A_222, %dma_wait3A_223] : memref<4x128x128xf32, #tpu.memory_space<vmem>> -> memref<1x128x128xf32, #tpu.memory_space<vmem>>
        %dma_wait3A_225 = tpu.memref_squeeze %dma_wait3A_224 : memref<1x128x128xf32, #tpu.memory_space<vmem>> -> memref<128x128xf32, #tpu.memory_space<vmem>>
        tpu.wait_dma2 semaphore(%arg14 : memref<!tpu.dma_semaphore, #tpu.memory_space<semaphore_mem>>) src(%dma_wait3A_225 : memref<128x128xf32, #tpu.memory_space<vmem>>) dst(%dma_wait3A_221 : memref<128x128xf32, #tpu.memory_space<hbm>>)
      } else {
      }
      %lt3A_149 = arith.constant 16 : i32
      %lt3A_150 = arith.cmpi slt, %add3A_140, %lt3A_149 : i32
      %convert_element_type3A_151 = arith.extui %lt3A_150 : i1 to i32
      %cond3A_152 = arith.constant 0 : i32
      %cond3A_153 = arith.cmpi ne, %convert_element_type3A_151, %cond3A_152 : i32
      scf.if %cond3A_153 {
        %add3A_212 = arith.constant 0 : i32
        %add3A_213 = vector.broadcast %add3A_212 : i32 to vector<16xi32>
        %add3A_214 = arith.addi %add3A_213, %iota3A : vector<16xi32>
        %shift_right_logical3A = arith.constant 5 : i32
        %shift_right_logical3A_215 = vector.broadcast %shift_right_logical3A : i32 to vector<16xi32>
        %shift_right_logical3A_216 = arith.shrui %add3A_214, %shift_right_logical3A_215 : vector<16xi32>
        %shift_right_logical3A_217 = arith.constant 2 : i32
        %shift_right_logical3A_218 = vector.broadcast %shift_right_logical3A_217 : i32 to vector<16xi32>
        %shift_right_logical3A_219 = arith.shrui %add3A_214, %shift_right_logical3A_218 : vector<16xi32>
        %and3A_220 = arith.constant 7 : i32
        %and3A_221 = vector.broadcast %and3A_220 : i32 to vector<16xi32>
        %and3A_222 = arith.andi %shift_right_logical3A_219, %and3A_221 : vector<16xi32>
        %and3A_223 = arith.constant 3 : i32
        %and3A_224 = vector.broadcast %and3A_223 : i32 to vector<16xi32>
        %and3A_225 = arith.andi %add3A_214, %and3A_224 : vector<16xi32>
        %add3A_226 = vector.broadcast %mul3A_61 : i32 to vector<16xi32>
        %add3A_227 = arith.addi %add3A_226, %and3A_225 : vector<16xi32>
        %mul3A_228 = arith.constant 4 : i32
        %mul3A_229 = arith.muli %add3A_140, %mul3A_228 : i32
        %add3A_230 = arith.addi %mul3A_79, %mul3A_229 : i32
        %add3A_231 = vector.broadcast %add3A_230 : i32 to vector<16xi32>
        %add3A_232 = arith.addi %add3A_231, %shift_right_logical3A_216 : vector<16xi32>
        %gather3A = tpu.vector_load_idx %arg6[%add3A_227, %add3A_232] : memref<8x128xi32, #tpu.memory_space<vmem>>[vector<16xi32>, vector<16xi32>], vector<16xi32>,
        %shift_right_logical3A_233 = arith.constant 3 : i32
        %shift_right_logical3A_234 = vector.broadcast %shift_right_logical3A_233 : i32 to vector<16xi32>
        %shift_right_logical3A_235 = arith.shrui %gather3A, %shift_right_logical3A_234 : vector<16xi32>
        %mul3A_236 = arith.constant 64 : i32
        %mul3A_237 = vector.broadcast %mul3A_236 : i32 to vector<16xi32>
        %mul3A_238 = arith.muli %shift_right_logical3A_235, %mul3A_237 : vector<16xi32>
        %mul3A_239 = arith.constant 8 : i32
        %mul3A_240 = vector.broadcast %mul3A_239 : i32 to vector<16xi32>
        %mul3A_241 = arith.muli %and3A_222, %mul3A_240 : vector<16xi32>
        %add3A_242 = arith.addi %mul3A_238, %mul3A_241 : vector<16xi32>
        %and3A_243 = arith.constant 7 : i32
        %and3A_244 = vector.broadcast %and3A_243 : i32 to vector<16xi32>
        %and3A_245 = arith.andi %gather3A, %and3A_244 : vector<16xi32>
        %add3A_246 = arith.addi %add3A_242, %and3A_245 : vector<16xi32>
        %dma_start3A = arith.constant 1 : i32
        %dma_start3A_247 = arith.constant 0 : i32
        %dma_start3A_248 = arith.constant 0 : i32
        %dma_start3A_249 = tpu.memref_slice %arg7[%dma_start3A, %dma_start3A_247, %dma_start3A_248] : memref<4x128x128xf32, #tpu.memory_space<vmem>> -> memref<1x16x128xf32, #tpu.memory_space<vmem>>
        %dma_start3A_250 = tpu.memref_squeeze %dma_start3A_249 : memref<1x16x128xf32, #tpu.memory_space<vmem>> -> memref<16x128xf32, #tpu.memory_space<vmem>>
        %dma_start3A_251 = arith.constant 0 : i32
        %dma_start3A_252 = arith.constant 0 : i32
        %dma_start3A_253 = tpu.memref_slice %arg4[%dma_start3A_251, %dma_start3A_252] : memref<800000x128xf32, #tpu.memory_space<hbm>> -> memref<800000x128xf32, #tpu.memory_space<hbm>>
        tpu.enqueue_indirect_dma source(%dma_start3A_253 : memref<800000x128xf32, #tpu.memory_space<hbm>>) target(%dma_start3A_250 : memref<16x128xf32, #tpu.memory_space<vmem>>) offsets(%add3A_246 : vector<16xi32>) semaphore(%arg10 : memref<!tpu.dma_semaphore, #tpu.memory_space<semaphore_mem>>)
        %add3A_254 = arith.constant 16 : i32
        %add3A_255 = vector.broadcast %add3A_254 : i32 to vector<16xi32>
        %add3A_256 = arith.addi %add3A_255, %iota3A : vector<16xi32>
        %shift_right_logical3A_257 = arith.constant 5 : i32
        %shift_right_logical3A_258 = vector.broadcast %shift_right_logical3A_257 : i32 to vector<16xi32>
        %shift_right_logical3A_259 = arith.shrui %add3A_256, %shift_right_logical3A_258 : vector<16xi32>
        %shift_right_logical3A_260 = arith.constant 2 : i32
        %shift_right_logical3A_261 = vector.broadcast %shift_right_logical3A_260 : i32 to vector<16xi32>
        %shift_right_logical3A_262 = arith.shrui %add3A_256, %shift_right_logical3A_261 : vector<16xi32>
        %and3A_263 = arith.constant 7 : i32
        %and3A_264 = vector.broadcast %and3A_263 : i32 to vector<16xi32>
        %and3A_265 = arith.andi %shift_right_logical3A_262, %and3A_264 : vector<16xi32>
        %and3A_266 = arith.constant 3 : i32
        %and3A_267 = vector.broadcast %and3A_266 : i32 to vector<16xi32>
        %and3A_268 = arith.andi %add3A_256, %and3A_267 : vector<16xi32>
        %add3A_269 = vector.broadcast %mul3A_61 : i32 to vector<16xi32>
        %add3A_270 = arith.addi %add3A_269, %and3A_268 : vector<16xi32>
        %mul3A_271 = arith.constant 4 : i32
        %mul3A_272 = arith.muli %add3A_140, %mul3A_271 : i32
        %add3A_273 = arith.addi %mul3A_79, %mul3A_272 : i32
        %add3A_274 = vector.broadcast %add3A_273 : i32 to vector<16xi32>
        %add3A_275 = arith.addi %add3A_274, %shift_right_logical3A_259 : vector<16xi32>
        %gather3A_276 = tpu.vector_load_idx %arg6[%add3A_270, %add3A_275] : memref<8x128xi32, #tpu.memory_space<vmem>>[vector<16xi32>, vector<16xi32>], vector<16xi32>,
        %shift_right_logical3A_277 = arith.constant 3 : i32
        %shift_right_logical3A_278 = vector.broadcast %shift_right_logical3A_277 : i32 to vector<16xi32>
        %shift_right_logical3A_279 = arith.shrui %gather3A_276, %shift_right_logical3A_278 : vector<16xi32>
        %mul3A_280 = arith.constant 64 : i32
        %mul3A_281 = vector.broadcast %mul3A_280 : i32 to vector<16xi32>
        %mul3A_282 = arith.muli %shift_right_logical3A_279, %mul3A_281 : vector<16xi32>
        %mul3A_283 = arith.constant 8 : i32
        %mul3A_284 = vector.broadcast %mul3A_283 : i32 to vector<16xi32>
        %mul3A_285 = arith.muli %and3A_265, %mul3A_284 : vector<16xi32>
        %add3A_286 = arith.addi %mul3A_282, %mul3A_285 : vector<16xi32>
        %and3A_287 = arith.constant 7 : i32
        %and3A_288 = vector.broadcast %and3A_287 : i32 to vector<16xi32>
        %and3A_289 = arith.andi %gather3A_276, %and3A_288 : vector<16xi32>
        %add3A_290 = arith.addi %add3A_286, %and3A_289 : vector<16xi32>
        %dma_start3A_291 = arith.constant 1 : i32
        %dma_start3A_292 = arith.constant 16 : i32
        %dma_start3A_293 = arith.constant 0 : i32
        %dma_start3A_294 = tpu.memref_slice %arg7[%dma_start3A_291, %dma_start3A_292, %dma_start3A_293] : memref<4x128x128xf32, #tpu.memory_space<vmem>> -> memref<1x16x128xf32, #tpu.memory_space<vmem>>
        %dma_start3A_295 = tpu.memref_squeeze %dma_start3A_294 : memref<1x16x128xf32, #tpu.memory_space<vmem>> -> memref<16x128xf32, #tpu.memory_space<vmem>>
        %dma_start3A_296 = arith.constant 0 : i32
        %dma_start3A_297 = arith.constant 0 : i32
        %dma_start3A_298 = tpu.memref_slice %arg4[%dma_start3A_296, %dma_start3A_297] : memref<800000x128xf32, #tpu.memory_space<hbm>> -> memref<800000x128xf32, #tpu.memory_space<hbm>>
        tpu.enqueue_indirect_dma source(%dma_start3A_298 : memref<800000x128xf32, #tpu.memory_space<hbm>>) target(%dma_start3A_295 : memref<16x128xf32, #tpu.memory_space<vmem>>) offsets(%add3A_290 : vector<16xi32>) semaphore(%arg10 : memref<!tpu.dma_semaphore, #tpu.memory_space<semaphore_mem>>)
        %add3A_299 = arith.constant 32 : i32
        %add3A_300 = vector.broadcast %add3A_299 : i32 to vector<16xi32>
        %add3A_301 = arith.addi %add3A_300, %iota3A : vector<16xi32>
        %shift_right_logical3A_302 = arith.constant 5 : i32
        %shift_right_logical3A_303 = vector.broadcast %shift_right_logical3A_302 : i32 to vector<16xi32>
        %shift_right_logical3A_304 = arith.shrui %add3A_301, %shift_right_logical3A_303 : vector<16xi32>
        %shift_right_logical3A_305 = arith.constant 2 : i32
        %shift_right_logical3A_306 = vector.broadcast %shift_right_logical3A_305 : i32 to vector<16xi32>
        %shift_right_logical3A_307 = arith.shrui %add3A_301, %shift_right_logical3A_306 : vector<16xi32>
        %and3A_308 = arith.constant 7 : i32
        %and3A_309 = vector.broadcast %and3A_308 : i32 to vector<16xi32>
        %and3A_310 = arith.andi %shift_right_logical3A_307, %and3A_309 : vector<16xi32>
        %and3A_311 = arith.constant 3 : i32
        %and3A_312 = vector.broadcast %and3A_311 : i32 to vector<16xi32>
        %and3A_313 = arith.andi %add3A_301, %and3A_312 : vector<16xi32>
        %add3A_314 = vector.broadcast %mul3A_61 : i32 to vector<16xi32>
        %add3A_315 = arith.addi %add3A_314, %and3A_313 : vector<16xi32>
        %mul3A_316 = arith.constant 4 : i32
        %mul3A_317 = arith.muli %add3A_140, %mul3A_316 : i32
        %add3A_318 = arith.addi %mul3A_79, %mul3A_317 : i32
        %add3A_319 = vector.broadcast %add3A_318 : i32 to vector<16xi32>
        %add3A_320 = arith.addi %add3A_319, %shift_right_logical3A_304 : vector<16xi32>
        %gather3A_321 = tpu.vector_load_idx %arg6[%add3A_315, %add3A_320] : memref<8x128xi32, #tpu.memory_space<vmem>>[vector<16xi32>, vector<16xi32>], vector<16xi32>,
        %shift_right_logical3A_322 = arith.constant 3 : i32
        %shift_right_logical3A_323 = vector.broadcast %shift_right_logical3A_322 : i32 to vector<16xi32>
        %shift_right_logical3A_324 = arith.shrui %gather3A_321, %shift_right_logical3A_323 : vector<16xi32>
        %mul3A_325 = arith.constant 64 : i32
        %mul3A_326 = vector.broadcast %mul3A_325 : i32 to vector<16xi32>
        %mul3A_327 = arith.muli %shift_right_logical3A_324, %mul3A_326 : vector<16xi32>
        %mul3A_328 = arith.constant 8 : i32
        %mul3A_329 = vector.broadcast %mul3A_328 : i32 to vector<16xi32>
        %mul3A_330 = arith.muli %and3A_310, %mul3A_329 : vector<16xi32>
        %add3A_331 = arith.addi %mul3A_327, %mul3A_330 : vector<16xi32>
        %and3A_332 = arith.constant 7 : i32
        %and3A_333 = vector.broadcast %and3A_332 : i32 to vector<16xi32>
        %and3A_334 = arith.andi %gather3A_321, %and3A_333 : vector<16xi32>
        %add3A_335 = arith.addi %add3A_331, %and3A_334 : vector<16xi32>
        %dma_start3A_336 = arith.constant 1 : i32
        %dma_start3A_337 = arith.constant 32 : i32
        %dma_start3A_338 = arith.constant 0 : i32
        %dma_start3A_339 = tpu.memref_slice %arg7[%dma_start3A_336, %dma_start3A_337, %dma_start3A_338] : memref<4x128x128xf32, #tpu.memory_space<vmem>> -> memref<1x16x128xf32, #tpu.memory_space<vmem>>
        %dma_start3A_340 = tpu.memref_squeeze %dma_start3A_339 : memref<1x16x128xf32, #tpu.memory_space<vmem>> -> memref<16x128xf32, #tpu.memory_space<vmem>>
        %dma_start3A_341 = arith.constant 0 : i32
        %dma_start3A_342 = arith.constant 0 : i32
        %dma_start3A_343 = tpu.memref_slice %arg4[%dma_start3A_341, %dma_start3A_342] : memref<800000x128xf32, #tpu.memory_space<hbm>> -> memref<800000x128xf32, #tpu.memory_space<hbm>>
        tpu.enqueue_indirect_dma source(%dma_start3A_343 : memref<800000x128xf32, #tpu.memory_space<hbm>>) target(%dma_start3A_340 : memref<16x128xf32, #tpu.memory_space<vmem>>) offsets(%add3A_335 : vector<16xi32>) semaphore(%arg10 : memref<!tpu.dma_semaphore, #tpu.memory_space<semaphore_mem>>)
        %add3A_344 = arith.constant 48 : i32
        %add3A_345 = vector.broadcast %add3A_344 : i32 to vector<16xi32>
        %add3A_346 = arith.addi %add3A_345, %iota3A : vector<16xi32>
        %shift_right_logical3A_347 = arith.constant 5 : i32
        %shift_right_logical3A_348 = vector.broadcast %shift_right_logical3A_347 : i32 to vector<16xi32>
        %shift_right_logical3A_349 = arith.shrui %add3A_346, %shift_right_logical3A_348 : vector<16xi32>
        %shift_right_logical3A_350 = arith.constant 2 : i32
        %shift_right_logical3A_351 = vector.broadcast %shift_right_logical3A_350 : i32 to vector<16xi32>
        %shift_right_logical3A_352 = arith.shrui %add3A_346, %shift_right_logical3A_351 : vector<16xi32>
        %and3A_353 = arith.constant 7 : i32
        %and3A_354 = vector.broadcast %and3A_353 : i32 to vector<16xi32>
        %and3A_355 = arith.andi %shift_right_logical3A_352, %and3A_354 : vector<16xi32>
        %and3A_356 = arith.constant 3 : i32
        %and3A_357 = vector.broadcast %and3A_356 : i32 to vector<16xi32>
        %and3A_358 = arith.andi %add3A_346, %and3A_357 : vector<16xi32>
        %add3A_359 = vector.broadcast %mul3A_61 : i32 to vector<16xi32>
        %add3A_360 = arith.addi %add3A_359, %and3A_358 : vector<16xi32>
        %mul3A_361 = arith.constant 4 : i32
        %mul3A_362 = arith.muli %add3A_140, %mul3A_361 : i32
        %add3A_363 = arith.addi %mul3A_79, %mul3A_362 : i32
        %add3A_364 = vector.broadcast %add3A_363 : i32 to vector<16xi32>
        %add3A_365 = arith.addi %add3A_364, %shift_right_logical3A_349 : vector<16xi32>
        %gather3A_366 = tpu.vector_load_idx %arg6[%add3A_360, %add3A_365] : memref<8x128xi32, #tpu.memory_space<vmem>>[vector<16xi32>, vector<16xi32>], vector<16xi32>,
        %shift_right_logical3A_367 = arith.constant 3 : i32
        %shift_right_logical3A_368 = vector.broadcast %shift_right_logical3A_367 : i32 to vector<16xi32>
        %shift_right_logical3A_369 = arith.shrui %gather3A_366, %shift_right_logical3A_368 : vector<16xi32>
        %mul3A_370 = arith.constant 64 : i32
        %mul3A_371 = vector.broadcast %mul3A_370 : i32 to vector<16xi32>
        %mul3A_372 = arith.muli %shift_right_logical3A_369, %mul3A_371 : vector<16xi32>
        %mul3A_373 = arith.constant 8 : i32
        %mul3A_374 = vector.broadcast %mul3A_373 : i32 to vector<16xi32>
        %mul3A_375 = arith.muli %and3A_355, %mul3A_374 : vector<16xi32>
        %add3A_376 = arith.addi %mul3A_372, %mul3A_375 : vector<16xi32>
        %and3A_377 = arith.constant 7 : i32
        %and3A_378 = vector.broadcast %and3A_377 : i32 to vector<16xi32>
        %and3A_379 = arith.andi %gather3A_366, %and3A_378 : vector<16xi32>
        %add3A_380 = arith.addi %add3A_376, %and3A_379 : vector<16xi32>
        %dma_start3A_381 = arith.constant 1 : i32
        %dma_start3A_382 = arith.constant 48 : i32
        %dma_start3A_383 = arith.constant 0 : i32
        %dma_start3A_384 = tpu.memref_slice %arg7[%dma_start3A_381, %dma_start3A_382, %dma_start3A_383] : memref<4x128x128xf32, #tpu.memory_space<vmem>> -> memref<1x16x128xf32, #tpu.memory_space<vmem>>
        %dma_start3A_385 = tpu.memref_squeeze %dma_start3A_384 : memref<1x16x128xf32, #tpu.memory_space<vmem>> -> memref<16x128xf32, #tpu.memory_space<vmem>>
        %dma_start3A_386 = arith.constant 0 : i32
        %dma_start3A_387 = arith.constant 0 : i32
        %dma_start3A_388 = tpu.memref_slice %arg4[%dma_start3A_386, %dma_start3A_387] : memref<800000x128xf32, #tpu.memory_space<hbm>> -> memref<800000x128xf32, #tpu.memory_space<hbm>>
        tpu.enqueue_indirect_dma source(%dma_start3A_388 : memref<800000x128xf32, #tpu.memory_space<hbm>>) target(%dma_start3A_385 : memref<16x128xf32, #tpu.memory_space<vmem>>) offsets(%add3A_380 : vector<16xi32>) semaphore(%arg10 : memref<!tpu.dma_semaphore, #tpu.memory_space<semaphore_mem>>)
        %add3A_389 = arith.constant 64 : i32
        %add3A_390 = vector.broadcast %add3A_389 : i32 to vector<16xi32>
        %add3A_391 = arith.addi %add3A_390, %iota3A : vector<16xi32>
        %shift_right_logical3A_392 = arith.constant 5 : i32
        %shift_right_logical3A_393 = vector.broadcast %shift_right_logical3A_392 : i32 to vector<16xi32>
        %shift_right_logical3A_394 = arith.shrui %add3A_391, %shift_right_logical3A_393 : vector<16xi32>
        %shift_right_logical3A_395 = arith.constant 2 : i32
        %shift_right_logical3A_396 = vector.broadcast %shift_right_logical3A_395 : i32 to vector<16xi32>
        %shift_right_logical3A_397 = arith.shrui %add3A_391, %shift_right_logical3A_396 : vector<16xi32>
        %and3A_398 = arith.constant 7 : i32
        %and3A_399 = vector.broadcast %and3A_398 : i32 to vector<16xi32>
        %and3A_400 = arith.andi %shift_right_logical3A_397, %and3A_399 : vector<16xi32>
        %and3A_401 = arith.constant 3 : i32
        %and3A_402 = vector.broadcast %and3A_401 : i32 to vector<16xi32>
        %and3A_403 = arith.andi %add3A_391, %and3A_402 : vector<16xi32>
        %add3A_404 = vector.broadcast %mul3A_61 : i32 to vector<16xi32>
        %add3A_405 = arith.addi %add3A_404, %and3A_403 : vector<16xi32>
        %mul3A_406 = arith.constant 4 : i32
        %mul3A_407 = arith.muli %add3A_140, %mul3A_406 : i32
        %add3A_408 = arith.addi %mul3A_79, %mul3A_407 : i32
        %add3A_409 = vector.broadcast %add3A_408 : i32 to vector<16xi32>
        %add3A_410 = arith.addi %add3A_409, %shift_right_logical3A_394 : vector<16xi32>
        %gather3A_411 = tpu.vector_load_idx %arg6[%add3A_405, %add3A_410] : memref<8x128xi32, #tpu.memory_space<vmem>>[vector<16xi32>, vector<16xi32>], vector<16xi32>,
        %shift_right_logical3A_412 = arith.constant 3 : i32
        %shift_right_logical3A_413 = vector.broadcast %shift_right_logical3A_412 : i32 to vector<16xi32>
        %shift_right_logical3A_414 = arith.shrui %gather3A_411, %shift_right_logical3A_413 : vector<16xi32>
        %mul3A_415 = arith.constant 64 : i32
        %mul3A_416 = vector.broadcast %mul3A_415 : i32 to vector<16xi32>
        %mul3A_417 = arith.muli %shift_right_logical3A_414, %mul3A_416 : vector<16xi32>
        %mul3A_418 = arith.constant 8 : i32
        %mul3A_419 = vector.broadcast %mul3A_418 : i32 to vector<16xi32>
        %mul3A_420 = arith.muli %and3A_400, %mul3A_419 : vector<16xi32>
        %add3A_421 = arith.addi %mul3A_417, %mul3A_420 : vector<16xi32>
        %and3A_422 = arith.constant 7 : i32
        %and3A_423 = vector.broadcast %and3A_422 : i32 to vector<16xi32>
        %and3A_424 = arith.andi %gather3A_411, %and3A_423 : vector<16xi32>
        %add3A_425 = arith.addi %add3A_421, %and3A_424 : vector<16xi32>
        %dma_start3A_426 = arith.constant 1 : i32
        %dma_start3A_427 = arith.constant 64 : i32
        %dma_start3A_428 = arith.constant 0 : i32
        %dma_start3A_429 = tpu.memref_slice %arg7[%dma_start3A_426, %dma_start3A_427, %dma_start3A_428] : memref<4x128x128xf32, #tpu.memory_space<vmem>> -> memref<1x16x128xf32, #tpu.memory_space<vmem>>
        %dma_start3A_430 = tpu.memref_squeeze %dma_start3A_429 : memref<1x16x128xf32, #tpu.memory_space<vmem>> -> memref<16x128xf32, #tpu.memory_space<vmem>>
        %dma_start3A_431 = arith.constant 0 : i32
        %dma_start3A_432 = arith.constant 0 : i32
        %dma_start3A_433 = tpu.memref_slice %arg4[%dma_start3A_431, %dma_start3A_432] : memref<800000x128xf32, #tpu.memory_space<hbm>> -> memref<800000x128xf32, #tpu.memory_space<hbm>>
        tpu.enqueue_indirect_dma source(%dma_start3A_433 : memref<800000x128xf32, #tpu.memory_space<hbm>>) target(%dma_start3A_430 : memref<16x128xf32, #tpu.memory_space<vmem>>) offsets(%add3A_425 : vector<16xi32>) semaphore(%arg10 : memref<!tpu.dma_semaphore, #tpu.memory_space<semaphore_mem>>)
        %add3A_434 = arith.constant 80 : i32
        %add3A_435 = vector.broadcast %add3A_434 : i32 to vector<16xi32>
        %add3A_436 = arith.addi %add3A_435, %iota3A : vector<16xi32>
        %shift_right_logical3A_437 = arith.constant 5 : i32
        %shift_right_logical3A_438 = vector.broadcast %shift_right_logical3A_437 : i32 to vector<16xi32>
        %shift_right_logical3A_439 = arith.shrui %add3A_436, %shift_right_logical3A_438 : vector<16xi32>
        %shift_right_logical3A_440 = arith.constant 2 : i32
        %shift_right_logical3A_441 = vector.broadcast %shift_right_logical3A_440 : i32 to vector<16xi32>
        %shift_right_logical3A_442 = arith.shrui %add3A_436, %shift_right_logical3A_441 : vector<16xi32>
        %and3A_443 = arith.constant 7 : i32
        %and3A_444 = vector.broadcast %and3A_443 : i32 to vector<16xi32>
        %and3A_445 = arith.andi %shift_right_logical3A_442, %and3A_444 : vector<16xi32>
        %and3A_446 = arith.constant 3 : i32
        %and3A_447 = vector.broadcast %and3A_446 : i32 to vector<16xi32>
        %and3A_448 = arith.andi %add3A_436, %and3A_447 : vector<16xi32>
        %add3A_449 = vector.broadcast %mul3A_61 : i32 to vector<16xi32>
        %add3A_450 = arith.addi %add3A_449, %and3A_448 : vector<16xi32>
        %mul3A_451 = arith.constant 4 : i32
        %mul3A_452 = arith.muli %add3A_140, %mul3A_451 : i32
        %add3A_453 = arith.addi %mul3A_79, %mul3A_452 : i32
        %add3A_454 = vector.broadcast %add3A_453 : i32 to vector<16xi32>
        %add3A_455 = arith.addi %add3A_454, %shift_right_logical3A_439 : vector<16xi32>
        %gather3A_456 = tpu.vector_load_idx %arg6[%add3A_450, %add3A_455] : memref<8x128xi32, #tpu.memory_space<vmem>>[vector<16xi32>, vector<16xi32>], vector<16xi32>,
        %shift_right_logical3A_457 = arith.constant 3 : i32
        %shift_right_logical3A_458 = vector.broadcast %shift_right_logical3A_457 : i32 to vector<16xi32>
        %shift_right_logical3A_459 = arith.shrui %gather3A_456, %shift_right_logical3A_458 : vector<16xi32>
        %mul3A_460 = arith.constant 64 : i32
        %mul3A_461 = vector.broadcast %mul3A_460 : i32 to vector<16xi32>
        %mul3A_462 = arith.muli %shift_right_logical3A_459, %mul3A_461 : vector<16xi32>
        %mul3A_463 = arith.constant 8 : i32
        %mul3A_464 = vector.broadcast %mul3A_463 : i32 to vector<16xi32>
        %mul3A_465 = arith.muli %and3A_445, %mul3A_464 : vector<16xi32>
        %add3A_466 = arith.addi %mul3A_462, %mul3A_465 : vector<16xi32>
        %and3A_467 = arith.constant 7 : i32
        %and3A_468 = vector.broadcast %and3A_467 : i32 to vector<16xi32>
        %and3A_469 = arith.andi %gather3A_456, %and3A_468 : vector<16xi32>
        %add3A_470 = arith.addi %add3A_466, %and3A_469 : vector<16xi32>
        %dma_start3A_471 = arith.constant 1 : i32
        %dma_start3A_472 = arith.constant 80 : i32
        %dma_start3A_473 = arith.constant 0 : i32
        %dma_start3A_474 = tpu.memref_slice %arg7[%dma_start3A_471, %dma_start3A_472, %dma_start3A_473] : memref<4x128x128xf32, #tpu.memory_space<vmem>> -> memref<1x16x128xf32, #tpu.memory_space<vmem>>
        %dma_start3A_475 = tpu.memref_squeeze %dma_start3A_474 : memref<1x16x128xf32, #tpu.memory_space<vmem>> -> memref<16x128xf32, #tpu.memory_space<vmem>>
        %dma_start3A_476 = arith.constant 0 : i32
        %dma_start3A_477 = arith.constant 0 : i32
        %dma_start3A_478 = tpu.memref_slice %arg4[%dma_start3A_476, %dma_start3A_477] : memref<800000x128xf32, #tpu.memory_space<hbm>> -> memref<800000x128xf32, #tpu.memory_space<hbm>>
        tpu.enqueue_indirect_dma source(%dma_start3A_478 : memref<800000x128xf32, #tpu.memory_space<hbm>>) target(%dma_start3A_475 : memref<16x128xf32, #tpu.memory_space<vmem>>) offsets(%add3A_470 : vector<16xi32>) semaphore(%arg10 : memref<!tpu.dma_semaphore, #tpu.memory_space<semaphore_mem>>)
        %add3A_479 = arith.constant 96 : i32
        %add3A_480 = vector.broadcast %add3A_479 : i32 to vector<16xi32>
        %add3A_481 = arith.addi %add3A_480, %iota3A : vector<16xi32>
        %shift_right_logical3A_482 = arith.constant 5 : i32
        %shift_right_logical3A_483 = vector.broadcast %shift_right_logical3A_482 : i32 to vector<16xi32>
        %shift_right_logical3A_484 = arith.shrui %add3A_481, %shift_right_logical3A_483 : vector<16xi32>
        %shift_right_logical3A_485 = arith.constant 2 : i32
        %shift_right_logical3A_486 = vector.broadcast %shift_right_logical3A_485 : i32 to vector<16xi32>
        %shift_right_logical3A_487 = arith.shrui %add3A_481, %shift_right_logical3A_486 : vector<16xi32>
        %and3A_488 = arith.constant 7 : i32
        %and3A_489 = vector.broadcast %and3A_488 : i32 to vector<16xi32>
        %and3A_490 = arith.andi %shift_right_logical3A_487, %and3A_489 : vector<16xi32>
        %and3A_491 = arith.constant 3 : i32
        %and3A_492 = vector.broadcast %and3A_491 : i32 to vector<16xi32>
        %and3A_493 = arith.andi %add3A_481, %and3A_492 : vector<16xi32>
        %add3A_494 = vector.broadcast %mul3A_61 : i32 to vector<16xi32>
        %add3A_495 = arith.addi %add3A_494, %and3A_493 : vector<16xi32>
        %mul3A_496 = arith.constant 4 : i32
        %mul3A_497 = arith.muli %add3A_140, %mul3A_496 : i32
        %add3A_498 = arith.addi %mul3A_79, %mul3A_497 : i32
        %add3A_499 = vector.broadcast %add3A_498 : i32 to vector<16xi32>
        %add3A_500 = arith.addi %add3A_499, %shift_right_logical3A_484 : vector<16xi32>
        %gather3A_501 = tpu.vector_load_idx %arg6[%add3A_495, %add3A_500] : memref<8x128xi32, #tpu.memory_space<vmem>>[vector<16xi32>, vector<16xi32>], vector<16xi32>,
        %shift_right_logical3A_502 = arith.constant 3 : i32
        %shift_right_logical3A_503 = vector.broadcast %shift_right_logical3A_502 : i32 to vector<16xi32>
        %shift_right_logical3A_504 = arith.shrui %gather3A_501, %shift_right_logical3A_503 : vector<16xi32>
        %mul3A_505 = arith.constant 64 : i32
        %mul3A_506 = vector.broadcast %mul3A_505 : i32 to vector<16xi32>
        %mul3A_507 = arith.muli %shift_right_logical3A_504, %mul3A_506 : vector<16xi32>
        %mul3A_508 = arith.constant 8 : i32
        %mul3A_509 = vector.broadcast %mul3A_508 : i32 to vector<16xi32>
        %mul3A_510 = arith.muli %and3A_490, %mul3A_509 : vector<16xi32>
        %add3A_511 = arith.addi %mul3A_507, %mul3A_510 : vector<16xi32>
        %and3A_512 = arith.constant 7 : i32
        %and3A_513 = vector.broadcast %and3A_512 : i32 to vector<16xi32>
        %and3A_514 = arith.andi %gather3A_501, %and3A_513 : vector<16xi32>
        %add3A_515 = arith.addi %add3A_511, %and3A_514 : vector<16xi32>
        %dma_start3A_516 = arith.constant 1 : i32
        %dma_start3A_517 = arith.constant 96 : i32
        %dma_start3A_518 = arith.constant 0 : i32
        %dma_start3A_519 = tpu.memref_slice %arg7[%dma_start3A_516, %dma_start3A_517, %dma_start3A_518] : memref<4x128x128xf32, #tpu.memory_space<vmem>> -> memref<1x16x128xf32, #tpu.memory_space<vmem>>
        %dma_start3A_520 = tpu.memref_squeeze %dma_start3A_519 : memref<1x16x128xf32, #tpu.memory_space<vmem>> -> memref<16x128xf32, #tpu.memory_space<vmem>>
        %dma_start3A_521 = arith.constant 0 : i32
        %dma_start3A_522 = arith.constant 0 : i32
        %dma_start3A_523 = tpu.memref_slice %arg4[%dma_start3A_521, %dma_start3A_522] : memref<800000x128xf32, #tpu.memory_space<hbm>> -> memref<800000x128xf32, #tpu.memory_space<hbm>>
        tpu.enqueue_indirect_dma source(%dma_start3A_523 : memref<800000x128xf32, #tpu.memory_space<hbm>>) target(%dma_start3A_520 : memref<16x128xf32, #tpu.memory_space<vmem>>) offsets(%add3A_515 : vector<16xi32>) semaphore(%arg10 : memref<!tpu.dma_semaphore, #tpu.memory_space<semaphore_mem>>)
        %add3A_524 = arith.constant 112 : i32
        %add3A_525 = vector.broadcast %add3A_524 : i32 to vector<16xi32>
        %add3A_526 = arith.addi %add3A_525, %iota3A : vector<16xi32>
        %shift_right_logical3A_527 = arith.constant 5 : i32
        %shift_right_logical3A_528 = vector.broadcast %shift_right_logical3A_527 : i32 to vector<16xi32>
        %shift_right_logical3A_529 = arith.shrui %add3A_526, %shift_right_logical3A_528 : vector<16xi32>
        %shift_right_logical3A_530 = arith.constant 2 : i32
        %shift_right_logical3A_531 = vector.broadcast %shift_right_logical3A_530 : i32 to vector<16xi32>
        %shift_right_logical3A_532 = arith.shrui %add3A_526, %shift_right_logical3A_531 : vector<16xi32>
        %and3A_533 = arith.constant 7 : i32
        %and3A_534 = vector.broadcast %and3A_533 : i32 to vector<16xi32>
        %and3A_535 = arith.andi %shift_right_logical3A_532, %and3A_534 : vector<16xi32>
        %and3A_536 = arith.constant 3 : i32
        %and3A_537 = vector.broadcast %and3A_536 : i32 to vector<16xi32>
        %and3A_538 = arith.andi %add3A_526, %and3A_537 : vector<16xi32>
        %add3A_539 = vector.broadcast %mul3A_61 : i32 to vector<16xi32>
        %add3A_540 = arith.addi %add3A_539, %and3A_538 : vector<16xi32>
        %mul3A_541 = arith.constant 4 : i32
        %mul3A_542 = arith.muli %add3A_140, %mul3A_541 : i32
        %add3A_543 = arith.addi %mul3A_79, %mul3A_542 : i32
        %add3A_544 = vector.broadcast %add3A_543 : i32 to vector<16xi32>
        %add3A_545 = arith.addi %add3A_544, %shift_right_logical3A_529 : vector<16xi32>
        %gather3A_546 = tpu.vector_load_idx %arg6[%add3A_540, %add3A_545] : memref<8x128xi32, #tpu.memory_space<vmem>>[vector<16xi32>, vector<16xi32>], vector<16xi32>,
        %shift_right_logical3A_547 = arith.constant 3 : i32
        %shift_right_logical3A_548 = vector.broadcast %shift_right_logical3A_547 : i32 to vector<16xi32>
        %shift_right_logical3A_549 = arith.shrui %gather3A_546, %shift_right_logical3A_548 : vector<16xi32>
        %mul3A_550 = arith.constant 64 : i32
        %mul3A_551 = vector.broadcast %mul3A_550 : i32 to vector<16xi32>
        %mul3A_552 = arith.muli %shift_right_logical3A_549, %mul3A_551 : vector<16xi32>
        %mul3A_553 = arith.constant 8 : i32
        %mul3A_554 = vector.broadcast %mul3A_553 : i32 to vector<16xi32>
        %mul3A_555 = arith.muli %and3A_535, %mul3A_554 : vector<16xi32>
        %add3A_556 = arith.addi %mul3A_552, %mul3A_555 : vector<16xi32>
        %and3A_557 = arith.constant 7 : i32
        %and3A_558 = vector.broadcast %and3A_557 : i32 to vector<16xi32>
        %and3A_559 = arith.andi %gather3A_546, %and3A_558 : vector<16xi32>
        %add3A_560 = arith.addi %add3A_556, %and3A_559 : vector<16xi32>
        %dma_start3A_561 = arith.constant 1 : i32
        %dma_start3A_562 = arith.constant 112 : i32
        %dma_start3A_563 = arith.constant 0 : i32
        %dma_start3A_564 = tpu.memref_slice %arg7[%dma_start3A_561, %dma_start3A_562, %dma_start3A_563] : memref<4x128x128xf32, #tpu.memory_space<vmem>> -> memref<1x16x128xf32, #tpu.memory_space<vmem>>
        %dma_start3A_565 = tpu.memref_squeeze %dma_start3A_564 : memref<1x16x128xf32, #tpu.memory_space<vmem>> -> memref<16x128xf32, #tpu.memory_space<vmem>>
        %dma_start3A_566 = arith.constant 0 : i32
        %dma_start3A_567 = arith.constant 0 : i32
        %dma_start3A_568 = tpu.memref_slice %arg4[%dma_start3A_566, %dma_start3A_567] : memref<800000x128xf32, #tpu.memory_space<hbm>> -> memref<800000x128xf32, #tpu.memory_space<hbm>>
        tpu.enqueue_indirect_dma source(%dma_start3A_568 : memref<800000x128xf32, #tpu.memory_space<hbm>>) target(%dma_start3A_565 : memref<16x128xf32, #tpu.memory_space<vmem>>) offsets(%add3A_560 : vector<16xi32>) semaphore(%arg10 : memref<!tpu.dma_semaphore, #tpu.memory_space<semaphore_mem>>)
      } else {
      }
      %ge3A_154 = arith.constant 2 : i32
      %ge3A_155 = arith.cmpi sge, %add3A_140, %ge3A_154 : i32
      %lt3A_156 = arith.constant 18 : i32
      %lt3A_157 = arith.cmpi slt, %add3A_140, %lt3A_156 : i32
      %and3A_158 = arith.andi %ge3A_155, %lt3A_157 : i1
      %convert_element_type3A_159 = arith.extui %and3A_158 : i1 to i32
      %cond3A_160 = arith.constant 0 : i32
      %cond3A_161 = arith.cmpi ne, %convert_element_type3A_159, %cond3A_160 : i32
      scf.if %cond3A_161 {
        %dma_wait3A = arith.constant 3 : i32
        %dma_wait3A_212 = arith.constant 0 : i32
        %dma_wait3A_213 = arith.constant 0 : i32
        %dma_wait3A_214 = tpu.memref_slice %arg7[%dma_wait3A, %dma_wait3A_212, %dma_wait3A_213] : memref<4x128x128xf32, #tpu.memory_space<vmem>> -> memref<1x128x128xf32, #tpu.memory_space<vmem>>
        %dma_wait3A_215 = tpu.memref_squeeze %dma_wait3A_214 : memref<1x128x128xf32, #tpu.memory_space<vmem>> -> memref<128x128xf32, #tpu.memory_space<vmem>>
        %dma_wait3A_216 = arith.constant 0 : i32
        %dma_wait3A_217 = arith.constant 0 : i32
        %dma_wait3A_218 = tpu.memref_slice %arg4[%dma_wait3A_216, %dma_wait3A_217] : memref<800000x128xf32, #tpu.memory_space<hbm>> -> memref<128x128xf32, #tpu.memory_space<hbm>>
        %dma_wait3A_219 = arith.constant 0 : i32
        %dma_wait3A_220 = arith.constant 0 : i32
        %dma_wait3A_221 = tpu.memref_slice %arg7[%dma_wait3A, %dma_wait3A_219, %dma_wait3A_220] : memref<4x128x128xf32, #tpu.memory_space<vmem>> -> memref<1x128x128xf32, #tpu.memory_space<vmem>>
        %dma_wait3A_222 = tpu.memref_squeeze %dma_wait3A_221 : memref<1x128x128xf32, #tpu.memory_space<vmem>> -> memref<128x128xf32, #tpu.memory_space<vmem>>
        %dma_wait3A_223 = arith.constant 0 : i32
        %dma_wait3A_224 = arith.constant 0 : i32
        %dma_wait3A_225 = tpu.memref_slice %arg4[%dma_wait3A_223, %dma_wait3A_224] : memref<800000x128xf32, #tpu.memory_space<hbm>> -> memref<128x128xf32, #tpu.memory_space<hbm>>
        tpu.wait_dma2 semaphore(%arg12 : memref<!tpu.dma_semaphore, #tpu.memory_space<semaphore_mem>>) src(%dma_wait3A_225 : memref<128x128xf32, #tpu.memory_space<hbm>>) dst(%dma_wait3A_222 : memref<128x128xf32, #tpu.memory_space<vmem>>)
        %sub3A_226 = arith.constant 2 : i32
        %sub3A_227 = arith.subi %add3A_140, %sub3A_226 : i32
        %add3A_228 = arith.constant 20 : i32
        %add3A_229 = arith.addi %add3A_228, %multiple_of3A : i32
        %mul3A_230 = arith.constant 4 : i32
        %mul3A_231 = arith.muli %sub3A_227, %mul3A_230 : i32
        %add3A_232 = arith.addi %add3A_229, %mul3A_231 : i32
        %mul3A_233 = arith.constant 32 : i32
        %mul3A_234 = arith.muli %add3A_232, %mul3A_233 : i32
        %multiple_of3A_235 = tpu.assume_multiple %mul3A_234, 128 : i32
        %dma_start3A = arith.constant 3 : i32
        %dma_start3A_236 = arith.constant 0 : i32
        %dma_start3A_237 = arith.constant 0 : i32
        %dma_start3A_238 = tpu.memref_slice %arg7[%dma_start3A, %dma_start3A_236, %dma_start3A_237] : memref<4x128x128xf32, #tpu.memory_space<vmem>> -> memref<1x128x128xf32, #tpu.memory_space<vmem>>
        %dma_start3A_239 = tpu.memref_squeeze %dma_start3A_238 : memref<1x128x128xf32, #tpu.memory_space<vmem>> -> memref<128x128xf32, #tpu.memory_space<vmem>>
        %dma_start3A_240 = arith.constant 0 : i32
        %dma_start3A_241 = tpu.memref_slice %arg5[%multiple_of3A_235, %dma_start3A_240] : memref<66176x128xf32, #tpu.memory_space<hbm>> -> memref<128x128xf32, #tpu.memory_space<hbm>>
        %dma_start3A_242 = arith.constant 0 : i32
        %dma_start3A_243 = tpu.memref_slice %arg5[%multiple_of3A_235, %dma_start3A_242] : memref<66176x128xf32, #tpu.memory_space<hbm>> -> memref<128x128xf32, #tpu.memory_space<hbm>>
        %dma_start3A_244 = arith.constant 0 : i32
        %dma_start3A_245 = arith.constant 0 : i32
        %dma_start3A_246 = tpu.memref_slice %arg7[%dma_start3A, %dma_start3A_244, %dma_start3A_245] : memref<4x128x128xf32, #tpu.memory_space<vmem>> -> memref<1x128x128xf32, #tpu.memory_space<vmem>>
        %dma_start3A_247 = tpu.memref_squeeze %dma_start3A_246 : memref<1x128x128xf32, #tpu.memory_space<vmem>> -> memref<128x128xf32, #tpu.memory_space<vmem>>
        tpu.enqueue_dma source(%dma_start3A_247 : memref<128x128xf32, #tpu.memory_space<vmem>>) target(%dma_start3A_243 : memref<128x128xf32, #tpu.memory_space<hbm>>) target_semaphore(%arg16 : memref<!tpu.dma_semaphore, #tpu.memory_space<semaphore_mem>>)
      } else {
      }
      %mul3A_162 = arith.constant 4 : i32
      %mul3A_163 = arith.muli %mul3A_162, %scan3A_112 : i32
      %add3A_164 = arith.constant 2 : i32
      %add3A_165 = arith.addi %mul3A_163, %add3A_164 : i32
      %ge3A_166 = arith.constant 4 : i32
      %ge3A_167 = arith.cmpi sge, %add3A_165, %ge3A_166 : i32
      %lt3A_168 = arith.constant 20 : i32
      %lt3A_169 = arith.cmpi slt, %add3A_165, %lt3A_168 : i32
      %and3A_170 = arith.andi %ge3A_167, %lt3A_169 : i1
      %convert_element_type3A_171 = arith.extui %and3A_170 : i1 to i32
      %cond3A_172 = arith.constant 0 : i32
      %cond3A_173 = arith.cmpi ne, %convert_element_type3A_171, %cond3A_172 : i32
      scf.if %cond3A_173 {
        %dma_wait3A = arith.constant 2 : i32
        %dma_wait3A_212 = arith.constant 0 : i32
        %dma_wait3A_213 = arith.constant 0 : i32
        %dma_wait3A_214 = tpu.memref_slice %arg7[%dma_wait3A, %dma_wait3A_212, %dma_wait3A_213] : memref<4x128x128xf32, #tpu.memory_space<vmem>> -> memref<1x128x128xf32, #tpu.memory_space<vmem>>
        %dma_wait3A_215 = tpu.memref_squeeze %dma_wait3A_214 : memref<1x128x128xf32, #tpu.memory_space<vmem>> -> memref<128x128xf32, #tpu.memory_space<vmem>>
        %dma_wait3A_216 = arith.constant 0 : i32
        %dma_wait3A_217 = arith.constant 0 : i32
        %dma_wait3A_218 = tpu.memref_slice %arg5[%dma_wait3A_216, %dma_wait3A_217] : memref<66176x128xf32, #tpu.memory_space<hbm>> -> memref<128x128xf32, #tpu.memory_space<hbm>>
        %dma_wait3A_219 = arith.constant 0 : i32
        %dma_wait3A_220 = arith.constant 0 : i32
        %dma_wait3A_221 = tpu.memref_slice %arg5[%dma_wait3A_219, %dma_wait3A_220] : memref<66176x128xf32, #tpu.memory_space<hbm>> -> memref<128x128xf32, #tpu.memory_space<hbm>>
        %dma_wait3A_222 = arith.constant 0 : i32
        %dma_wait3A_223 = arith.constant 0 : i32
        %dma_wait3A_224 = tpu.memref_slice %arg7[%dma_wait3A, %dma_wait3A_222, %dma_wait3A_223] : memref<4x128x128xf32, #tpu.memory_space<vmem>> -> memref<1x128x128xf32, #tpu.memory_space<vmem>>
        %dma_wait3A_225 = tpu.memref_squeeze %dma_wait3A_224 : memref<1x128x128xf32, #tpu.memory_space<vmem>> -> memref<128x128xf32, #tpu.memory_space<vmem>>
        tpu.wait_dma2 semaphore(%arg15 : memref<!tpu.dma_semaphore, #tpu.memory_space<semaphore_mem>>) src(%dma_wait3A_225 : memref<128x128xf32, #tpu.memory_space<vmem>>) dst(%dma_wait3A_221 : memref<128x128xf32, #tpu.memory_space<hbm>>)
      } else {
      }
      %lt3A_174 = arith.constant 16 : i32
      %lt3A_175 = arith.cmpi slt, %add3A_165, %lt3A_174 : i32
      %convert_element_type3A_176 = arith.extui %lt3A_175 : i1 to i32
      %cond3A_177 = arith.constant 0 : i32
      %cond3A_178 = arith.cmpi ne, %convert_element_type3A_176, %cond3A_177 : i32
      scf.if %cond3A_178 {
        %add3A_212 = arith.constant 0 : i32
        %add3A_213 = vector.broadcast %add3A_212 : i32 to vector<16xi32>
        %add3A_214 = arith.addi %add3A_213, %iota3A : vector<16xi32>
        %shift_right_logical3A = arith.constant 5 : i32
        %shift_right_logical3A_215 = vector.broadcast %shift_right_logical3A : i32 to vector<16xi32>
        %shift_right_logical3A_216 = arith.shrui %add3A_214, %shift_right_logical3A_215 : vector<16xi32>
        %shift_right_logical3A_217 = arith.constant 2 : i32
        %shift_right_logical3A_218 = vector.broadcast %shift_right_logical3A_217 : i32 to vector<16xi32>
        %shift_right_logical3A_219 = arith.shrui %add3A_214, %shift_right_logical3A_218 : vector<16xi32>
        %and3A_220 = arith.constant 7 : i32
        %and3A_221 = vector.broadcast %and3A_220 : i32 to vector<16xi32>
        %and3A_222 = arith.andi %shift_right_logical3A_219, %and3A_221 : vector<16xi32>
        %and3A_223 = arith.constant 3 : i32
        %and3A_224 = vector.broadcast %and3A_223 : i32 to vector<16xi32>
        %and3A_225 = arith.andi %add3A_214, %and3A_224 : vector<16xi32>
        %add3A_226 = vector.broadcast %mul3A_61 : i32 to vector<16xi32>
        %add3A_227 = arith.addi %add3A_226, %and3A_225 : vector<16xi32>
        %mul3A_228 = arith.constant 4 : i32
        %mul3A_229 = arith.muli %add3A_165, %mul3A_228 : i32
        %add3A_230 = arith.addi %mul3A_79, %mul3A_229 : i32
        %add3A_231 = vector.broadcast %add3A_230 : i32 to vector<16xi32>
        %add3A_232 = arith.addi %add3A_231, %shift_right_logical3A_216 : vector<16xi32>
        %gather3A = tpu.vector_load_idx %arg6[%add3A_227, %add3A_232] : memref<8x128xi32, #tpu.memory_space<vmem>>[vector<16xi32>, vector<16xi32>], vector<16xi32>,
        %shift_right_logical3A_233 = arith.constant 3 : i32
        %shift_right_logical3A_234 = vector.broadcast %shift_right_logical3A_233 : i32 to vector<16xi32>
        %shift_right_logical3A_235 = arith.shrui %gather3A, %shift_right_logical3A_234 : vector<16xi32>
        %mul3A_236 = arith.constant 64 : i32
        %mul3A_237 = vector.broadcast %mul3A_236 : i32 to vector<16xi32>
        %mul3A_238 = arith.muli %shift_right_logical3A_235, %mul3A_237 : vector<16xi32>
        %mul3A_239 = arith.constant 8 : i32
        %mul3A_240 = vector.broadcast %mul3A_239 : i32 to vector<16xi32>
        %mul3A_241 = arith.muli %and3A_222, %mul3A_240 : vector<16xi32>
        %add3A_242 = arith.addi %mul3A_238, %mul3A_241 : vector<16xi32>
        %and3A_243 = arith.constant 7 : i32
        %and3A_244 = vector.broadcast %and3A_243 : i32 to vector<16xi32>
        %and3A_245 = arith.andi %gather3A, %and3A_244 : vector<16xi32>
        %add3A_246 = arith.addi %add3A_242, %and3A_245 : vector<16xi32>
        %dma_start3A = arith.constant 2 : i32
        %dma_start3A_247 = arith.constant 0 : i32
        %dma_start3A_248 = arith.constant 0 : i32
        %dma_start3A_249 = tpu.memref_slice %arg7[%dma_start3A, %dma_start3A_247, %dma_start3A_248] : memref<4x128x128xf32, #tpu.memory_space<vmem>> -> memref<1x16x128xf32, #tpu.memory_space<vmem>>
        %dma_start3A_250 = tpu.memref_squeeze %dma_start3A_249 : memref<1x16x128xf32, #tpu.memory_space<vmem>> -> memref<16x128xf32, #tpu.memory_space<vmem>>
        %dma_start3A_251 = arith.constant 0 : i32
        %dma_start3A_252 = arith.constant 0 : i32
        %dma_start3A_253 = tpu.memref_slice %arg4[%dma_start3A_251, %dma_start3A_252] : memref<800000x128xf32, #tpu.memory_space<hbm>> -> memref<800000x128xf32, #tpu.memory_space<hbm>>
        tpu.enqueue_indirect_dma source(%dma_start3A_253 : memref<800000x128xf32, #tpu.memory_space<hbm>>) target(%dma_start3A_250 : memref<16x128xf32, #tpu.memory_space<vmem>>) offsets(%add3A_246 : vector<16xi32>) semaphore(%arg11 : memref<!tpu.dma_semaphore, #tpu.memory_space<semaphore_mem>>)
        %add3A_254 = arith.constant 16 : i32
        %add3A_255 = vector.broadcast %add3A_254 : i32 to vector<16xi32>
        %add3A_256 = arith.addi %add3A_255, %iota3A : vector<16xi32>
        %shift_right_logical3A_257 = arith.constant 5 : i32
        %shift_right_logical3A_258 = vector.broadcast %shift_right_logical3A_257 : i32 to vector<16xi32>
        %shift_right_logical3A_259 = arith.shrui %add3A_256, %shift_right_logical3A_258 : vector<16xi32>
        %shift_right_logical3A_260 = arith.constant 2 : i32
        %shift_right_logical3A_261 = vector.broadcast %shift_right_logical3A_260 : i32 to vector<16xi32>
        %shift_right_logical3A_262 = arith.shrui %add3A_256, %shift_right_logical3A_261 : vector<16xi32>
        %and3A_263 = arith.constant 7 : i32
        %and3A_264 = vector.broadcast %and3A_263 : i32 to vector<16xi32>
        %and3A_265 = arith.andi %shift_right_logical3A_262, %and3A_264 : vector<16xi32>
        %and3A_266 = arith.constant 3 : i32
        %and3A_267 = vector.broadcast %and3A_266 : i32 to vector<16xi32>
        %and3A_268 = arith.andi %add3A_256, %and3A_267 : vector<16xi32>
        %add3A_269 = vector.broadcast %mul3A_61 : i32 to vector<16xi32>
        %add3A_270 = arith.addi %add3A_269, %and3A_268 : vector<16xi32>
        %mul3A_271 = arith.constant 4 : i32
        %mul3A_272 = arith.muli %add3A_165, %mul3A_271 : i32
        %add3A_273 = arith.addi %mul3A_79, %mul3A_272 : i32
        %add3A_274 = vector.broadcast %add3A_273 : i32 to vector<16xi32>
        %add3A_275 = arith.addi %add3A_274, %shift_right_logical3A_259 : vector<16xi32>
        %gather3A_276 = tpu.vector_load_idx %arg6[%add3A_270, %add3A_275] : memref<8x128xi32, #tpu.memory_space<vmem>>[vector<16xi32>, vector<16xi32>], vector<16xi32>,
        %shift_right_logical3A_277 = arith.constant 3 : i32
        %shift_right_logical3A_278 = vector.broadcast %shift_right_logical3A_277 : i32 to vector<16xi32>
        %shift_right_logical3A_279 = arith.shrui %gather3A_276, %shift_right_logical3A_278 : vector<16xi32>
        %mul3A_280 = arith.constant 64 : i32
        %mul3A_281 = vector.broadcast %mul3A_280 : i32 to vector<16xi32>
        %mul3A_282 = arith.muli %shift_right_logical3A_279, %mul3A_281 : vector<16xi32>
        %mul3A_283 = arith.constant 8 : i32
        %mul3A_284 = vector.broadcast %mul3A_283 : i32 to vector<16xi32>
        %mul3A_285 = arith.muli %and3A_265, %mul3A_284 : vector<16xi32>
        %add3A_286 = arith.addi %mul3A_282, %mul3A_285 : vector<16xi32>
        %and3A_287 = arith.constant 7 : i32
        %and3A_288 = vector.broadcast %and3A_287 : i32 to vector<16xi32>
        %and3A_289 = arith.andi %gather3A_276, %and3A_288 : vector<16xi32>
        %add3A_290 = arith.addi %add3A_286, %and3A_289 : vector<16xi32>
        %dma_start3A_291 = arith.constant 2 : i32
        %dma_start3A_292 = arith.constant 16 : i32
        %dma_start3A_293 = arith.constant 0 : i32
        %dma_start3A_294 = tpu.memref_slice %arg7[%dma_start3A_291, %dma_start3A_292, %dma_start3A_293] : memref<4x128x128xf32, #tpu.memory_space<vmem>> -> memref<1x16x128xf32, #tpu.memory_space<vmem>>
        %dma_start3A_295 = tpu.memref_squeeze %dma_start3A_294 : memref<1x16x128xf32, #tpu.memory_space<vmem>> -> memref<16x128xf32, #tpu.memory_space<vmem>>
        %dma_start3A_296 = arith.constant 0 : i32
        %dma_start3A_297 = arith.constant 0 : i32
        %dma_start3A_298 = tpu.memref_slice %arg4[%dma_start3A_296, %dma_start3A_297] : memref<800000x128xf32, #tpu.memory_space<hbm>> -> memref<800000x128xf32, #tpu.memory_space<hbm>>
        tpu.enqueue_indirect_dma source(%dma_start3A_298 : memref<800000x128xf32, #tpu.memory_space<hbm>>) target(%dma_start3A_295 : memref<16x128xf32, #tpu.memory_space<vmem>>) offsets(%add3A_290 : vector<16xi32>) semaphore(%arg11 : memref<!tpu.dma_semaphore, #tpu.memory_space<semaphore_mem>>)
        %add3A_299 = arith.constant 32 : i32
        %add3A_300 = vector.broadcast %add3A_299 : i32 to vector<16xi32>
        %add3A_301 = arith.addi %add3A_300, %iota3A : vector<16xi32>
        %shift_right_logical3A_302 = arith.constant 5 : i32
        %shift_right_logical3A_303 = vector.broadcast %shift_right_logical3A_302 : i32 to vector<16xi32>
        %shift_right_logical3A_304 = arith.shrui %add3A_301, %shift_right_logical3A_303 : vector<16xi32>
        %shift_right_logical3A_305 = arith.constant 2 : i32
        %shift_right_logical3A_306 = vector.broadcast %shift_right_logical3A_305 : i32 to vector<16xi32>
        %shift_right_logical3A_307 = arith.shrui %add3A_301, %shift_right_logical3A_306 : vector<16xi32>
        %and3A_308 = arith.constant 7 : i32
        %and3A_309 = vector.broadcast %and3A_308 : i32 to vector<16xi32>
        %and3A_310 = arith.andi %shift_right_logical3A_307, %and3A_309 : vector<16xi32>
        %and3A_311 = arith.constant 3 : i32
        %and3A_312 = vector.broadcast %and3A_311 : i32 to vector<16xi32>
        %and3A_313 = arith.andi %add3A_301, %and3A_312 : vector<16xi32>
        %add3A_314 = vector.broadcast %mul3A_61 : i32 to vector<16xi32>
        %add3A_315 = arith.addi %add3A_314, %and3A_313 : vector<16xi32>
        %mul3A_316 = arith.constant 4 : i32
        %mul3A_317 = arith.muli %add3A_165, %mul3A_316 : i32
        %add3A_318 = arith.addi %mul3A_79, %mul3A_317 : i32
        %add3A_319 = vector.broadcast %add3A_318 : i32 to vector<16xi32>
        %add3A_320 = arith.addi %add3A_319, %shift_right_logical3A_304 : vector<16xi32>
        %gather3A_321 = tpu.vector_load_idx %arg6[%add3A_315, %add3A_320] : memref<8x128xi32, #tpu.memory_space<vmem>>[vector<16xi32>, vector<16xi32>], vector<16xi32>,
        %shift_right_logical3A_322 = arith.constant 3 : i32
        %shift_right_logical3A_323 = vector.broadcast %shift_right_logical3A_322 : i32 to vector<16xi32>
        %shift_right_logical3A_324 = arith.shrui %gather3A_321, %shift_right_logical3A_323 : vector<16xi32>
        %mul3A_325 = arith.constant 64 : i32
        %mul3A_326 = vector.broadcast %mul3A_325 : i32 to vector<16xi32>
        %mul3A_327 = arith.muli %shift_right_logical3A_324, %mul3A_326 : vector<16xi32>
        %mul3A_328 = arith.constant 8 : i32
        %mul3A_329 = vector.broadcast %mul3A_328 : i32 to vector<16xi32>
        %mul3A_330 = arith.muli %and3A_310, %mul3A_329 : vector<16xi32>
        %add3A_331 = arith.addi %mul3A_327, %mul3A_330 : vector<16xi32>
        %and3A_332 = arith.constant 7 : i32
        %and3A_333 = vector.broadcast %and3A_332 : i32 to vector<16xi32>
        %and3A_334 = arith.andi %gather3A_321, %and3A_333 : vector<16xi32>
        %add3A_335 = arith.addi %add3A_331, %and3A_334 : vector<16xi32>
        %dma_start3A_336 = arith.constant 2 : i32
        %dma_start3A_337 = arith.constant 32 : i32
        %dma_start3A_338 = arith.constant 0 : i32
        %dma_start3A_339 = tpu.memref_slice %arg7[%dma_start3A_336, %dma_start3A_337, %dma_start3A_338] : memref<4x128x128xf32, #tpu.memory_space<vmem>> -> memref<1x16x128xf32, #tpu.memory_space<vmem>>
        %dma_start3A_340 = tpu.memref_squeeze %dma_start3A_339 : memref<1x16x128xf32, #tpu.memory_space<vmem>> -> memref<16x128xf32, #tpu.memory_space<vmem>>
        %dma_start3A_341 = arith.constant 0 : i32
        %dma_start3A_342 = arith.constant 0 : i32
        %dma_start3A_343 = tpu.memref_slice %arg4[%dma_start3A_341, %dma_start3A_342] : memref<800000x128xf32, #tpu.memory_space<hbm>> -> memref<800000x128xf32, #tpu.memory_space<hbm>>
        tpu.enqueue_indirect_dma source(%dma_start3A_343 : memref<800000x128xf32, #tpu.memory_space<hbm>>) target(%dma_start3A_340 : memref<16x128xf32, #tpu.memory_space<vmem>>) offsets(%add3A_335 : vector<16xi32>) semaphore(%arg11 : memref<!tpu.dma_semaphore, #tpu.memory_space<semaphore_mem>>)
        %add3A_344 = arith.constant 48 : i32
        %add3A_345 = vector.broadcast %add3A_344 : i32 to vector<16xi32>
        %add3A_346 = arith.addi %add3A_345, %iota3A : vector<16xi32>
        %shift_right_logical3A_347 = arith.constant 5 : i32
        %shift_right_logical3A_348 = vector.broadcast %shift_right_logical3A_347 : i32 to vector<16xi32>
        %shift_right_logical3A_349 = arith.shrui %add3A_346, %shift_right_logical3A_348 : vector<16xi32>
        %shift_right_logical3A_350 = arith.constant 2 : i32
        %shift_right_logical3A_351 = vector.broadcast %shift_right_logical3A_350 : i32 to vector<16xi32>
        %shift_right_logical3A_352 = arith.shrui %add3A_346, %shift_right_logical3A_351 : vector<16xi32>
        %and3A_353 = arith.constant 7 : i32
        %and3A_354 = vector.broadcast %and3A_353 : i32 to vector<16xi32>
        %and3A_355 = arith.andi %shift_right_logical3A_352, %and3A_354 : vector<16xi32>
        %and3A_356 = arith.constant 3 : i32
        %and3A_357 = vector.broadcast %and3A_356 : i32 to vector<16xi32>
        %and3A_358 = arith.andi %add3A_346, %and3A_357 : vector<16xi32>
        %add3A_359 = vector.broadcast %mul3A_61 : i32 to vector<16xi32>
        %add3A_360 = arith.addi %add3A_359, %and3A_358 : vector<16xi32>
        %mul3A_361 = arith.constant 4 : i32
        %mul3A_362 = arith.muli %add3A_165, %mul3A_361 : i32
        %add3A_363 = arith.addi %mul3A_79, %mul3A_362 : i32
        %add3A_364 = vector.broadcast %add3A_363 : i32 to vector<16xi32>
        %add3A_365 = arith.addi %add3A_364, %shift_right_logical3A_349 : vector<16xi32>
        %gather3A_366 = tpu.vector_load_idx %arg6[%add3A_360, %add3A_365] : memref<8x128xi32, #tpu.memory_space<vmem>>[vector<16xi32>, vector<16xi32>], vector<16xi32>,
        %shift_right_logical3A_367 = arith.constant 3 : i32
        %shift_right_logical3A_368 = vector.broadcast %shift_right_logical3A_367 : i32 to vector<16xi32>
        %shift_right_logical3A_369 = arith.shrui %gather3A_366, %shift_right_logical3A_368 : vector<16xi32>
        %mul3A_370 = arith.constant 64 : i32
        %mul3A_371 = vector.broadcast %mul3A_370 : i32 to vector<16xi32>
        %mul3A_372 = arith.muli %shift_right_logical3A_369, %mul3A_371 : vector<16xi32>
        %mul3A_373 = arith.constant 8 : i32
        %mul3A_374 = vector.broadcast %mul3A_373 : i32 to vector<16xi32>
        %mul3A_375 = arith.muli %and3A_355, %mul3A_374 : vector<16xi32>
        %add3A_376 = arith.addi %mul3A_372, %mul3A_375 : vector<16xi32>
        %and3A_377 = arith.constant 7 : i32
        %and3A_378 = vector.broadcast %and3A_377 : i32 to vector<16xi32>
        %and3A_379 = arith.andi %gather3A_366, %and3A_378 : vector<16xi32>
        %add3A_380 = arith.addi %add3A_376, %and3A_379 : vector<16xi32>
        %dma_start3A_381 = arith.constant 2 : i32
        %dma_start3A_382 = arith.constant 48 : i32
        %dma_start3A_383 = arith.constant 0 : i32
        %dma_start3A_384 = tpu.memref_slice %arg7[%dma_start3A_381, %dma_start3A_382, %dma_start3A_383] : memref<4x128x128xf32, #tpu.memory_space<vmem>> -> memref<1x16x128xf32, #tpu.memory_space<vmem>>
        %dma_start3A_385 = tpu.memref_squeeze %dma_start3A_384 : memref<1x16x128xf32, #tpu.memory_space<vmem>> -> memref<16x128xf32, #tpu.memory_space<vmem>>
        %dma_start3A_386 = arith.constant 0 : i32
        %dma_start3A_387 = arith.constant 0 : i32
        %dma_start3A_388 = tpu.memref_slice %arg4[%dma_start3A_386, %dma_start3A_387] : memref<800000x128xf32, #tpu.memory_space<hbm>> -> memref<800000x128xf32, #tpu.memory_space<hbm>>
        tpu.enqueue_indirect_dma source(%dma_start3A_388 : memref<800000x128xf32, #tpu.memory_space<hbm>>) target(%dma_start3A_385 : memref<16x128xf32, #tpu.memory_space<vmem>>) offsets(%add3A_380 : vector<16xi32>) semaphore(%arg11 : memref<!tpu.dma_semaphore, #tpu.memory_space<semaphore_mem>>)
        %add3A_389 = arith.constant 64 : i32
        %add3A_390 = vector.broadcast %add3A_389 : i32 to vector<16xi32>
        %add3A_391 = arith.addi %add3A_390, %iota3A : vector<16xi32>
        %shift_right_logical3A_392 = arith.constant 5 : i32
        %shift_right_logical3A_393 = vector.broadcast %shift_right_logical3A_392 : i32 to vector<16xi32>
        %shift_right_logical3A_394 = arith.shrui %add3A_391, %shift_right_logical3A_393 : vector<16xi32>
        %shift_right_logical3A_395 = arith.constant 2 : i32
        %shift_right_logical3A_396 = vector.broadcast %shift_right_logical3A_395 : i32 to vector<16xi32>
        %shift_right_logical3A_397 = arith.shrui %add3A_391, %shift_right_logical3A_396 : vector<16xi32>
        %and3A_398 = arith.constant 7 : i32
        %and3A_399 = vector.broadcast %and3A_398 : i32 to vector<16xi32>
        %and3A_400 = arith.andi %shift_right_logical3A_397, %and3A_399 : vector<16xi32>
        %and3A_401 = arith.constant 3 : i32
        %and3A_402 = vector.broadcast %and3A_401 : i32 to vector<16xi32>
        %and3A_403 = arith.andi %add3A_391, %and3A_402 : vector<16xi32>
        %add3A_404 = vector.broadcast %mul3A_61 : i32 to vector<16xi32>
        %add3A_405 = arith.addi %add3A_404, %and3A_403 : vector<16xi32>
        %mul3A_406 = arith.constant 4 : i32
        %mul3A_407 = arith.muli %add3A_165, %mul3A_406 : i32
        %add3A_408 = arith.addi %mul3A_79, %mul3A_407 : i32
        %add3A_409 = vector.broadcast %add3A_408 : i32 to vector<16xi32>
        %add3A_410 = arith.addi %add3A_409, %shift_right_logical3A_394 : vector<16xi32>
        %gather3A_411 = tpu.vector_load_idx %arg6[%add3A_405, %add3A_410] : memref<8x128xi32, #tpu.memory_space<vmem>>[vector<16xi32>, vector<16xi32>], vector<16xi32>,
        %shift_right_logical3A_412 = arith.constant 3 : i32
        %shift_right_logical3A_413 = vector.broadcast %shift_right_logical3A_412 : i32 to vector<16xi32>
        %shift_right_logical3A_414 = arith.shrui %gather3A_411, %shift_right_logical3A_413 : vector<16xi32>
        %mul3A_415 = arith.constant 64 : i32
        %mul3A_416 = vector.broadcast %mul3A_415 : i32 to vector<16xi32>
        %mul3A_417 = arith.muli %shift_right_logical3A_414, %mul3A_416 : vector<16xi32>
        %mul3A_418 = arith.constant 8 : i32
        %mul3A_419 = vector.broadcast %mul3A_418 : i32 to vector<16xi32>
        %mul3A_420 = arith.muli %and3A_400, %mul3A_419 : vector<16xi32>
        %add3A_421 = arith.addi %mul3A_417, %mul3A_420 : vector<16xi32>
        %and3A_422 = arith.constant 7 : i32
        %and3A_423 = vector.broadcast %and3A_422 : i32 to vector<16xi32>
        %and3A_424 = arith.andi %gather3A_411, %and3A_423 : vector<16xi32>
        %add3A_425 = arith.addi %add3A_421, %and3A_424 : vector<16xi32>
        %dma_start3A_426 = arith.constant 2 : i32
        %dma_start3A_427 = arith.constant 64 : i32
        %dma_start3A_428 = arith.constant 0 : i32
        %dma_start3A_429 = tpu.memref_slice %arg7[%dma_start3A_426, %dma_start3A_427, %dma_start3A_428] : memref<4x128x128xf32, #tpu.memory_space<vmem>> -> memref<1x16x128xf32, #tpu.memory_space<vmem>>
        %dma_start3A_430 = tpu.memref_squeeze %dma_start3A_429 : memref<1x16x128xf32, #tpu.memory_space<vmem>> -> memref<16x128xf32, #tpu.memory_space<vmem>>
        %dma_start3A_431 = arith.constant 0 : i32
        %dma_start3A_432 = arith.constant 0 : i32
        %dma_start3A_433 = tpu.memref_slice %arg4[%dma_start3A_431, %dma_start3A_432] : memref<800000x128xf32, #tpu.memory_space<hbm>> -> memref<800000x128xf32, #tpu.memory_space<hbm>>
        tpu.enqueue_indirect_dma source(%dma_start3A_433 : memref<800000x128xf32, #tpu.memory_space<hbm>>) target(%dma_start3A_430 : memref<16x128xf32, #tpu.memory_space<vmem>>) offsets(%add3A_425 : vector<16xi32>) semaphore(%arg11 : memref<!tpu.dma_semaphore, #tpu.memory_space<semaphore_mem>>)
        %add3A_434 = arith.constant 80 : i32
        %add3A_435 = vector.broadcast %add3A_434 : i32 to vector<16xi32>
        %add3A_436 = arith.addi %add3A_435, %iota3A : vector<16xi32>
        %shift_right_logical3A_437 = arith.constant 5 : i32
        %shift_right_logical3A_438 = vector.broadcast %shift_right_logical3A_437 : i32 to vector<16xi32>
        %shift_right_logical3A_439 = arith.shrui %add3A_436, %shift_right_logical3A_438 : vector<16xi32>
        %shift_right_logical3A_440 = arith.constant 2 : i32
        %shift_right_logical3A_441 = vector.broadcast %shift_right_logical3A_440 : i32 to vector<16xi32>
        %shift_right_logical3A_442 = arith.shrui %add3A_436, %shift_right_logical3A_441 : vector<16xi32>
        %and3A_443 = arith.constant 7 : i32
        %and3A_444 = vector.broadcast %and3A_443 : i32 to vector<16xi32>
        %and3A_445 = arith.andi %shift_right_logical3A_442, %and3A_444 : vector<16xi32>
        %and3A_446 = arith.constant 3 : i32
        %and3A_447 = vector.broadcast %and3A_446 : i32 to vector<16xi32>
        %and3A_448 = arith.andi %add3A_436, %and3A_447 : vector<16xi32>
        %add3A_449 = vector.broadcast %mul3A_61 : i32 to vector<16xi32>
        %add3A_450 = arith.addi %add3A_449, %and3A_448 : vector<16xi32>
        %mul3A_451 = arith.constant 4 : i32
        %mul3A_452 = arith.muli %add3A_165, %mul3A_451 : i32
        %add3A_453 = arith.addi %mul3A_79, %mul3A_452 : i32
        %add3A_454 = vector.broadcast %add3A_453 : i32 to vector<16xi32>
        %add3A_455 = arith.addi %add3A_454, %shift_right_logical3A_439 : vector<16xi32>
        %gather3A_456 = tpu.vector_load_idx %arg6[%add3A_450, %add3A_455] : memref<8x128xi32, #tpu.memory_space<vmem>>[vector<16xi32>, vector<16xi32>], vector<16xi32>,
        %shift_right_logical3A_457 = arith.constant 3 : i32
        %shift_right_logical3A_458 = vector.broadcast %shift_right_logical3A_457 : i32 to vector<16xi32>
        %shift_right_logical3A_459 = arith.shrui %gather3A_456, %shift_right_logical3A_458 : vector<16xi32>
        %mul3A_460 = arith.constant 64 : i32
        %mul3A_461 = vector.broadcast %mul3A_460 : i32 to vector<16xi32>
        %mul3A_462 = arith.muli %shift_right_logical3A_459, %mul3A_461 : vector<16xi32>
        %mul3A_463 = arith.constant 8 : i32
        %mul3A_464 = vector.broadcast %mul3A_463 : i32 to vector<16xi32>
        %mul3A_465 = arith.muli %and3A_445, %mul3A_464 : vector<16xi32>
        %add3A_466 = arith.addi %mul3A_462, %mul3A_465 : vector<16xi32>
        %and3A_467 = arith.constant 7 : i32
        %and3A_468 = vector.broadcast %and3A_467 : i32 to vector<16xi32>
        %and3A_469 = arith.andi %gather3A_456, %and3A_468 : vector<16xi32>
        %add3A_470 = arith.addi %add3A_466, %and3A_469 : vector<16xi32>
        %dma_start3A_471 = arith.constant 2 : i32
        %dma_start3A_472 = arith.constant 80 : i32
        %dma_start3A_473 = arith.constant 0 : i32
        %dma_start3A_474 = tpu.memref_slice %arg7[%dma_start3A_471, %dma_start3A_472, %dma_start3A_473] : memref<4x128x128xf32, #tpu.memory_space<vmem>> -> memref<1x16x128xf32, #tpu.memory_space<vmem>>
        %dma_start3A_475 = tpu.memref_squeeze %dma_start3A_474 : memref<1x16x128xf32, #tpu.memory_space<vmem>> -> memref<16x128xf32, #tpu.memory_space<vmem>>
        %dma_start3A_476 = arith.constant 0 : i32
        %dma_start3A_477 = arith.constant 0 : i32
        %dma_start3A_478 = tpu.memref_slice %arg4[%dma_start3A_476, %dma_start3A_477] : memref<800000x128xf32, #tpu.memory_space<hbm>> -> memref<800000x128xf32, #tpu.memory_space<hbm>>
        tpu.enqueue_indirect_dma source(%dma_start3A_478 : memref<800000x128xf32, #tpu.memory_space<hbm>>) target(%dma_start3A_475 : memref<16x128xf32, #tpu.memory_space<vmem>>) offsets(%add3A_470 : vector<16xi32>) semaphore(%arg11 : memref<!tpu.dma_semaphore, #tpu.memory_space<semaphore_mem>>)
        %add3A_479 = arith.constant 96 : i32
        %add3A_480 = vector.broadcast %add3A_479 : i32 to vector<16xi32>
        %add3A_481 = arith.addi %add3A_480, %iota3A : vector<16xi32>
        %shift_right_logical3A_482 = arith.constant 5 : i32
        %shift_right_logical3A_483 = vector.broadcast %shift_right_logical3A_482 : i32 to vector<16xi32>
        %shift_right_logical3A_484 = arith.shrui %add3A_481, %shift_right_logical3A_483 : vector<16xi32>
        %shift_right_logical3A_485 = arith.constant 2 : i32
        %shift_right_logical3A_486 = vector.broadcast %shift_right_logical3A_485 : i32 to vector<16xi32>
        %shift_right_logical3A_487 = arith.shrui %add3A_481, %shift_right_logical3A_486 : vector<16xi32>
        %and3A_488 = arith.constant 7 : i32
        %and3A_489 = vector.broadcast %and3A_488 : i32 to vector<16xi32>
        %and3A_490 = arith.andi %shift_right_logical3A_487, %and3A_489 : vector<16xi32>
        %and3A_491 = arith.constant 3 : i32
        %and3A_492 = vector.broadcast %and3A_491 : i32 to vector<16xi32>
        %and3A_493 = arith.andi %add3A_481, %and3A_492 : vector<16xi32>
        %add3A_494 = vector.broadcast %mul3A_61 : i32 to vector<16xi32>
        %add3A_495 = arith.addi %add3A_494, %and3A_493 : vector<16xi32>
        %mul3A_496 = arith.constant 4 : i32
        %mul3A_497 = arith.muli %add3A_165, %mul3A_496 : i32
        %add3A_498 = arith.addi %mul3A_79, %mul3A_497 : i32
        %add3A_499 = vector.broadcast %add3A_498 : i32 to vector<16xi32>
        %add3A_500 = arith.addi %add3A_499, %shift_right_logical3A_484 : vector<16xi32>
        %gather3A_501 = tpu.vector_load_idx %arg6[%add3A_495, %add3A_500] : memref<8x128xi32, #tpu.memory_space<vmem>>[vector<16xi32>, vector<16xi32>], vector<16xi32>,
        %shift_right_logical3A_502 = arith.constant 3 : i32
        %shift_right_logical3A_503 = vector.broadcast %shift_right_logical3A_502 : i32 to vector<16xi32>
        %shift_right_logical3A_504 = arith.shrui %gather3A_501, %shift_right_logical3A_503 : vector<16xi32>
        %mul3A_505 = arith.constant 64 : i32
        %mul3A_506 = vector.broadcast %mul3A_505 : i32 to vector<16xi32>
        %mul3A_507 = arith.muli %shift_right_logical3A_504, %mul3A_506 : vector<16xi32>
        %mul3A_508 = arith.constant 8 : i32
        %mul3A_509 = vector.broadcast %mul3A_508 : i32 to vector<16xi32>
        %mul3A_510 = arith.muli %and3A_490, %mul3A_509 : vector<16xi32>
        %add3A_511 = arith.addi %mul3A_507, %mul3A_510 : vector<16xi32>
        %and3A_512 = arith.constant 7 : i32
        %and3A_513 = vector.broadcast %and3A_512 : i32 to vector<16xi32>
        %and3A_514 = arith.andi %gather3A_501, %and3A_513 : vector<16xi32>
        %add3A_515 = arith.addi %add3A_511, %and3A_514 : vector<16xi32>
        %dma_start3A_516 = arith.constant 2 : i32
        %dma_start3A_517 = arith.constant 96 : i32
        %dma_start3A_518 = arith.constant 0 : i32
        %dma_start3A_519 = tpu.memref_slice %arg7[%dma_start3A_516, %dma_start3A_517, %dma_start3A_518] : memref<4x128x128xf32, #tpu.memory_space<vmem>> -> memref<1x16x128xf32, #tpu.memory_space<vmem>>
        %dma_start3A_520 = tpu.memref_squeeze %dma_start3A_519 : memref<1x16x128xf32, #tpu.memory_space<vmem>> -> memref<16x128xf32, #tpu.memory_space<vmem>>
        %dma_start3A_521 = arith.constant 0 : i32
        %dma_start3A_522 = arith.constant 0 : i32
        %dma_start3A_523 = tpu.memref_slice %arg4[%dma_start3A_521, %dma_start3A_522] : memref<800000x128xf32, #tpu.memory_space<hbm>> -> memref<800000x128xf32, #tpu.memory_space<hbm>>
        tpu.enqueue_indirect_dma source(%dma_start3A_523 : memref<800000x128xf32, #tpu.memory_space<hbm>>) target(%dma_start3A_520 : memref<16x128xf32, #tpu.memory_space<vmem>>) offsets(%add3A_515 : vector<16xi32>) semaphore(%arg11 : memref<!tpu.dma_semaphore, #tpu.memory_space<semaphore_mem>>)
        %add3A_524 = arith.constant 112 : i32
        %add3A_525 = vector.broadcast %add3A_524 : i32 to vector<16xi32>
        %add3A_526 = arith.addi %add3A_525, %iota3A : vector<16xi32>
        %shift_right_logical3A_527 = arith.constant 5 : i32
        %shift_right_logical3A_528 = vector.broadcast %shift_right_logical3A_527 : i32 to vector<16xi32>
        %shift_right_logical3A_529 = arith.shrui %add3A_526, %shift_right_logical3A_528 : vector<16xi32>
        %shift_right_logical3A_530 = arith.constant 2 : i32
        %shift_right_logical3A_531 = vector.broadcast %shift_right_logical3A_530 : i32 to vector<16xi32>
        %shift_right_logical3A_532 = arith.shrui %add3A_526, %shift_right_logical3A_531 : vector<16xi32>
        %and3A_533 = arith.constant 7 : i32
        %and3A_534 = vector.broadcast %and3A_533 : i32 to vector<16xi32>
        %and3A_535 = arith.andi %shift_right_logical3A_532, %and3A_534 : vector<16xi32>
        %and3A_536 = arith.constant 3 : i32
        %and3A_537 = vector.broadcast %and3A_536 : i32 to vector<16xi32>
        %and3A_538 = arith.andi %add3A_526, %and3A_537 : vector<16xi32>
        %add3A_539 = vector.broadcast %mul3A_61 : i32 to vector<16xi32>
        %add3A_540 = arith.addi %add3A_539, %and3A_538 : vector<16xi32>
        %mul3A_541 = arith.constant 4 : i32
        %mul3A_542 = arith.muli %add3A_165, %mul3A_541 : i32
        %add3A_543 = arith.addi %mul3A_79, %mul3A_542 : i32
        %add3A_544 = vector.broadcast %add3A_543 : i32 to vector<16xi32>
        %add3A_545 = arith.addi %add3A_544, %shift_right_logical3A_529 : vector<16xi32>
        %gather3A_546 = tpu.vector_load_idx %arg6[%add3A_540, %add3A_545] : memref<8x128xi32, #tpu.memory_space<vmem>>[vector<16xi32>, vector<16xi32>], vector<16xi32>,
        %shift_right_logical3A_547 = arith.constant 3 : i32
        %shift_right_logical3A_548 = vector.broadcast %shift_right_logical3A_547 : i32 to vector<16xi32>
        %shift_right_logical3A_549 = arith.shrui %gather3A_546, %shift_right_logical3A_548 : vector<16xi32>
        %mul3A_550 = arith.constant 64 : i32
        %mul3A_551 = vector.broadcast %mul3A_550 : i32 to vector<16xi32>
        %mul3A_552 = arith.muli %shift_right_logical3A_549, %mul3A_551 : vector<16xi32>
        %mul3A_553 = arith.constant 8 : i32
        %mul3A_554 = vector.broadcast %mul3A_553 : i32 to vector<16xi32>
        %mul3A_555 = arith.muli %and3A_535, %mul3A_554 : vector<16xi32>
        %add3A_556 = arith.addi %mul3A_552, %mul3A_555 : vector<16xi32>
        %and3A_557 = arith.constant 7 : i32
        %and3A_558 = vector.broadcast %and3A_557 : i32 to vector<16xi32>
        %and3A_559 = arith.andi %gather3A_546, %and3A_558 : vector<16xi32>
        %add3A_560 = arith.addi %add3A_556, %and3A_559 : vector<16xi32>
        %dma_start3A_561 = arith.constant 2 : i32
        %dma_start3A_562 = arith.constant 112 : i32
        %dma_start3A_563 = arith.constant 0 : i32
        %dma_start3A_564 = tpu.memref_slice %arg7[%dma_start3A_561, %dma_start3A_562, %dma_start3A_563] : memref<4x128x128xf32, #tpu.memory_space<vmem>> -> memref<1x16x128xf32, #tpu.memory_space<vmem>>
        %dma_start3A_565 = tpu.memref_squeeze %dma_start3A_564 : memref<1x16x128xf32, #tpu.memory_space<vmem>> -> memref<16x128xf32, #tpu.memory_space<vmem>>
        %dma_start3A_566 = arith.constant 0 : i32
        %dma_start3A_567 = arith.constant 0 : i32
        %dma_start3A_568 = tpu.memref_slice %arg4[%dma_start3A_566, %dma_start3A_567] : memref<800000x128xf32, #tpu.memory_space<hbm>> -> memref<800000x128xf32, #tpu.memory_space<hbm>>
        tpu.enqueue_indirect_dma source(%dma_start3A_568 : memref<800000x128xf32, #tpu.memory_space<hbm>>) target(%dma_start3A_565 : memref<16x128xf32, #tpu.memory_space<vmem>>) offsets(%add3A_560 : vector<16xi32>) semaphore(%arg11 : memref<!tpu.dma_semaphore, #tpu.memory_space<semaphore_mem>>)
      } else {
      }
      %ge3A_179 = arith.constant 2 : i32
      %ge3A_180 = arith.cmpi sge, %add3A_165, %ge3A_179 : i32
      %lt3A_181 = arith.constant 18 : i32
      %lt3A_182 = arith.cmpi slt, %add3A_165, %lt3A_181 : i32
      %and3A_183 = arith.andi %ge3A_180, %lt3A_182 : i1
      %convert_element_type3A_184 = arith.extui %and3A_183 : i1 to i32
      %cond3A_185 = arith.constant 0 : i32
      %cond3A_186 = arith.cmpi ne, %convert_element_type3A_184, %cond3A_185 : i32
      scf.if %cond3A_186 {
        %dma_wait3A = arith.constant 0 : i32
        %dma_wait3A_212 = arith.constant 0 : i32
        %dma_wait3A_213 = arith.constant 0 : i32
        %dma_wait3A_214 = tpu.memref_slice %arg7[%dma_wait3A, %dma_wait3A_212, %dma_wait3A_213] : memref<4x128x128xf32, #tpu.memory_space<vmem>> -> memref<1x128x128xf32, #tpu.memory_space<vmem>>
        %dma_wait3A_215 = tpu.memref_squeeze %dma_wait3A_214 : memref<1x128x128xf32, #tpu.memory_space<vmem>> -> memref<128x128xf32, #tpu.memory_space<vmem>>
        %dma_wait3A_216 = arith.constant 0 : i32
        %dma_wait3A_217 = arith.constant 0 : i32
        %dma_wait3A_218 = tpu.memref_slice %arg4[%dma_wait3A_216, %dma_wait3A_217] : memref<800000x128xf32, #tpu.memory_space<hbm>> -> memref<128x128xf32, #tpu.memory_space<hbm>>
        %dma_wait3A_219 = arith.constant 0 : i32
        %dma_wait3A_220 = arith.constant 0 : i32
        %dma_wait3A_221 = tpu.memref_slice %arg7[%dma_wait3A, %dma_wait3A_219, %dma_wait3A_220] : memref<4x128x128xf32, #tpu.memory_space<vmem>> -> memref<1x128x128xf32, #tpu.memory_space<vmem>>
        %dma_wait3A_222 = tpu.memref_squeeze %dma_wait3A_221 : memref<1x128x128xf32, #tpu.memory_space<vmem>> -> memref<128x128xf32, #tpu.memory_space<vmem>>
        %dma_wait3A_223 = arith.constant 0 : i32
        %dma_wait3A_224 = arith.constant 0 : i32
        %dma_wait3A_225 = tpu.memref_slice %arg4[%dma_wait3A_223, %dma_wait3A_224] : memref<800000x128xf32, #tpu.memory_space<hbm>> -> memref<128x128xf32, #tpu.memory_space<hbm>>
        tpu.wait_dma2 semaphore(%arg9 : memref<!tpu.dma_semaphore, #tpu.memory_space<semaphore_mem>>) src(%dma_wait3A_225 : memref<128x128xf32, #tpu.memory_space<hbm>>) dst(%dma_wait3A_222 : memref<128x128xf32, #tpu.memory_space<vmem>>)
        %sub3A_226 = arith.constant 2 : i32
        %sub3A_227 = arith.subi %add3A_165, %sub3A_226 : i32
        %add3A_228 = arith.constant 20 : i32
        %add3A_229 = arith.addi %add3A_228, %multiple_of3A : i32
        %mul3A_230 = arith.constant 4 : i32
        %mul3A_231 = arith.muli %sub3A_227, %mul3A_230 : i32
        %add3A_232 = arith.addi %add3A_229, %mul3A_231 : i32
        %mul3A_233 = arith.constant 32 : i32
        %mul3A_234 = arith.muli %add3A_232, %mul3A_233 : i32
        %multiple_of3A_235 = tpu.assume_multiple %mul3A_234, 128 : i32
        %dma_start3A = arith.constant 0 : i32
        %dma_start3A_236 = arith.constant 0 : i32
        %dma_start3A_237 = arith.constant 0 : i32
        %dma_start3A_238 = tpu.memref_slice %arg7[%dma_start3A, %dma_start3A_236, %dma_start3A_237] : memref<4x128x128xf32, #tpu.memory_space<vmem>> -> memref<1x128x128xf32, #tpu.memory_space<vmem>>
        %dma_start3A_239 = tpu.memref_squeeze %dma_start3A_238 : memref<1x128x128xf32, #tpu.memory_space<vmem>> -> memref<128x128xf32, #tpu.memory_space<vmem>>
        %dma_start3A_240 = arith.constant 0 : i32
        %dma_start3A_241 = tpu.memref_slice %arg5[%multiple_of3A_235, %dma_start3A_240] : memref<66176x128xf32, #tpu.memory_space<hbm>> -> memref<128x128xf32, #tpu.memory_space<hbm>>
        %dma_start3A_242 = arith.constant 0 : i32
        %dma_start3A_243 = tpu.memref_slice %arg5[%multiple_of3A_235, %dma_start3A_242] : memref<66176x128xf32, #tpu.memory_space<hbm>> -> memref<128x128xf32, #tpu.memory_space<hbm>>
        %dma_start3A_244 = arith.constant 0 : i32
        %dma_start3A_245 = arith.constant 0 : i32
        %dma_start3A_246 = tpu.memref_slice %arg7[%dma_start3A, %dma_start3A_244, %dma_start3A_245] : memref<4x128x128xf32, #tpu.memory_space<vmem>> -> memref<1x128x128xf32, #tpu.memory_space<vmem>>
        %dma_start3A_247 = tpu.memref_squeeze %dma_start3A_246 : memref<1x128x128xf32, #tpu.memory_space<vmem>> -> memref<128x128xf32, #tpu.memory_space<vmem>>
        tpu.enqueue_dma source(%dma_start3A_247 : memref<128x128xf32, #tpu.memory_space<vmem>>) target(%dma_start3A_243 : memref<128x128xf32, #tpu.memory_space<hbm>>) target_semaphore(%arg13 : memref<!tpu.dma_semaphore, #tpu.memory_space<semaphore_mem>>)
      } else {
      }
      %mul3A_187 = arith.constant 4 : i32
      %mul3A_188 = arith.muli %mul3A_187, %scan3A_112 : i32
      %add3A_189 = arith.constant 3 : i32
      %add3A_190 = arith.addi %mul3A_188, %add3A_189 : i32
      %ge3A_191 = arith.constant 4 : i32
      %ge3A_192 = arith.cmpi sge, %add3A_190, %ge3A_191 : i32
      %lt3A_193 = arith.constant 20 : i32
      %lt3A_194 = arith.cmpi slt, %add3A_190, %lt3A_193 : i32
      %and3A_195 = arith.andi %ge3A_192, %lt3A_194 : i1
      %convert_element_type3A_196 = arith.extui %and3A_195 : i1 to i32
      %cond3A_197 = arith.constant 0 : i32
      %cond3A_198 = arith.cmpi ne, %convert_element_type3A_196, %cond3A_197 : i32
      scf.if %cond3A_198 {
        %dma_wait3A = arith.constant 3 : i32
        %dma_wait3A_212 = arith.constant 0 : i32
        %dma_wait3A_213 = arith.constant 0 : i32
        %dma_wait3A_214 = tpu.memref_slice %arg7[%dma_wait3A, %dma_wait3A_212, %dma_wait3A_213] : memref<4x128x128xf32, #tpu.memory_space<vmem>> -> memref<1x128x128xf32, #tpu.memory_space<vmem>>
        %dma_wait3A_215 = tpu.memref_squeeze %dma_wait3A_214 : memref<1x128x128xf32, #tpu.memory_space<vmem>> -> memref<128x128xf32, #tpu.memory_space<vmem>>
        %dma_wait3A_216 = arith.constant 0 : i32
        %dma_wait3A_217 = arith.constant 0 : i32
        %dma_wait3A_218 = tpu.memref_slice %arg5[%dma_wait3A_216, %dma_wait3A_217] : memref<66176x128xf32, #tpu.memory_space<hbm>> -> memref<128x128xf32, #tpu.memory_space<hbm>>
        %dma_wait3A_219 = arith.constant 0 : i32
        %dma_wait3A_220 = arith.constant 0 : i32
        %dma_wait3A_221 = tpu.memref_slice %arg5[%dma_wait3A_219, %dma_wait3A_220] : memref<66176x128xf32, #tpu.memory_space<hbm>> -> memref<128x128xf32, #tpu.memory_space<hbm>>
        %dma_wait3A_222 = arith.constant 0 : i32
        %dma_wait3A_223 = arith.constant 0 : i32
        %dma_wait3A_224 = tpu.memref_slice %arg7[%dma_wait3A, %dma_wait3A_222, %dma_wait3A_223] : memref<4x128x128xf32, #tpu.memory_space<vmem>> -> memref<1x128x128xf32, #tpu.memory_space<vmem>>
        %dma_wait3A_225 = tpu.memref_squeeze %dma_wait3A_224 : memref<1x128x128xf32, #tpu.memory_space<vmem>> -> memref<128x128xf32, #tpu.memory_space<vmem>>
        tpu.wait_dma2 semaphore(%arg16 : memref<!tpu.dma_semaphore, #tpu.memory_space<semaphore_mem>>) src(%dma_wait3A_225 : memref<128x128xf32, #tpu.memory_space<vmem>>) dst(%dma_wait3A_221 : memref<128x128xf32, #tpu.memory_space<hbm>>)
      } else {
      }
      %lt3A_199 = arith.constant 16 : i32
      %lt3A_200 = arith.cmpi slt, %add3A_190, %lt3A_199 : i32
      %convert_element_type3A_201 = arith.extui %lt3A_200 : i1 to i32
      %cond3A_202 = arith.constant 0 : i32
      %cond3A_203 = arith.cmpi ne, %convert_element_type3A_201, %cond3A_202 : i32
      scf.if %cond3A_203 {
        %add3A_212 = arith.constant 0 : i32
        %add3A_213 = vector.broadcast %add3A_212 : i32 to vector<16xi32>
        %add3A_214 = arith.addi %add3A_213, %iota3A : vector<16xi32>
        %shift_right_logical3A = arith.constant 5 : i32
        %shift_right_logical3A_215 = vector.broadcast %shift_right_logical3A : i32 to vector<16xi32>
        %shift_right_logical3A_216 = arith.shrui %add3A_214, %shift_right_logical3A_215 : vector<16xi32>
        %shift_right_logical3A_217 = arith.constant 2 : i32
        %shift_right_logical3A_218 = vector.broadcast %shift_right_logical3A_217 : i32 to vector<16xi32>
        %shift_right_logical3A_219 = arith.shrui %add3A_214, %shift_right_logical3A_218 : vector<16xi32>
        %and3A_220 = arith.constant 7 : i32
        %and3A_221 = vector.broadcast %and3A_220 : i32 to vector<16xi32>
        %and3A_222 = arith.andi %shift_right_logical3A_219, %and3A_221 : vector<16xi32>
        %and3A_223 = arith.constant 3 : i32
        %and3A_224 = vector.broadcast %and3A_223 : i32 to vector<16xi32>
        %and3A_225 = arith.andi %add3A_214, %and3A_224 : vector<16xi32>
        %add3A_226 = vector.broadcast %mul3A_61 : i32 to vector<16xi32>
        %add3A_227 = arith.addi %add3A_226, %and3A_225 : vector<16xi32>
        %mul3A_228 = arith.constant 4 : i32
        %mul3A_229 = arith.muli %add3A_190, %mul3A_228 : i32
        %add3A_230 = arith.addi %mul3A_79, %mul3A_229 : i32
        %add3A_231 = vector.broadcast %add3A_230 : i32 to vector<16xi32>
        %add3A_232 = arith.addi %add3A_231, %shift_right_logical3A_216 : vector<16xi32>
        %gather3A = tpu.vector_load_idx %arg6[%add3A_227, %add3A_232] : memref<8x128xi32, #tpu.memory_space<vmem>>[vector<16xi32>, vector<16xi32>], vector<16xi32>,
        %shift_right_logical3A_233 = arith.constant 3 : i32
        %shift_right_logical3A_234 = vector.broadcast %shift_right_logical3A_233 : i32 to vector<16xi32>
        %shift_right_logical3A_235 = arith.shrui %gather3A, %shift_right_logical3A_234 : vector<16xi32>
        %mul3A_236 = arith.constant 64 : i32
        %mul3A_237 = vector.broadcast %mul3A_236 : i32 to vector<16xi32>
        %mul3A_238 = arith.muli %shift_right_logical3A_235, %mul3A_237 : vector<16xi32>
        %mul3A_239 = arith.constant 8 : i32
        %mul3A_240 = vector.broadcast %mul3A_239 : i32 to vector<16xi32>
        %mul3A_241 = arith.muli %and3A_222, %mul3A_240 : vector<16xi32>
        %add3A_242 = arith.addi %mul3A_238, %mul3A_241 : vector<16xi32>
        %and3A_243 = arith.constant 7 : i32
        %and3A_244 = vector.broadcast %and3A_243 : i32 to vector<16xi32>
        %and3A_245 = arith.andi %gather3A, %and3A_244 : vector<16xi32>
        %add3A_246 = arith.addi %add3A_242, %and3A_245 : vector<16xi32>
        %dma_start3A = arith.constant 3 : i32
        %dma_start3A_247 = arith.constant 0 : i32
        %dma_start3A_248 = arith.constant 0 : i32
        %dma_start3A_249 = tpu.memref_slice %arg7[%dma_start3A, %dma_start3A_247, %dma_start3A_248] : memref<4x128x128xf32, #tpu.memory_space<vmem>> -> memref<1x16x128xf32, #tpu.memory_space<vmem>>
        %dma_start3A_250 = tpu.memref_squeeze %dma_start3A_249 : memref<1x16x128xf32, #tpu.memory_space<vmem>> -> memref<16x128xf32, #tpu.memory_space<vmem>>
        %dma_start3A_251 = arith.constant 0 : i32
        %dma_start3A_252 = arith.constant 0 : i32
        %dma_start3A_253 = tpu.memref_slice %arg4[%dma_start3A_251, %dma_start3A_252] : memref<800000x128xf32, #tpu.memory_space<hbm>> -> memref<800000x128xf32, #tpu.memory_space<hbm>>
        tpu.enqueue_indirect_dma source(%dma_start3A_253 : memref<800000x128xf32, #tpu.memory_space<hbm>>) target(%dma_start3A_250 : memref<16x128xf32, #tpu.memory_space<vmem>>) offsets(%add3A_246 : vector<16xi32>) semaphore(%arg12 : memref<!tpu.dma_semaphore, #tpu.memory_space<semaphore_mem>>)
        %add3A_254 = arith.constant 16 : i32
        %add3A_255 = vector.broadcast %add3A_254 : i32 to vector<16xi32>
        %add3A_256 = arith.addi %add3A_255, %iota3A : vector<16xi32>
        %shift_right_logical3A_257 = arith.constant 5 : i32
        %shift_right_logical3A_258 = vector.broadcast %shift_right_logical3A_257 : i32 to vector<16xi32>
        %shift_right_logical3A_259 = arith.shrui %add3A_256, %shift_right_logical3A_258 : vector<16xi32>
        %shift_right_logical3A_260 = arith.constant 2 : i32
        %shift_right_logical3A_261 = vector.broadcast %shift_right_logical3A_260 : i32 to vector<16xi32>
        %shift_right_logical3A_262 = arith.shrui %add3A_256, %shift_right_logical3A_261 : vector<16xi32>
        %and3A_263 = arith.constant 7 : i32
        %and3A_264 = vector.broadcast %and3A_263 : i32 to vector<16xi32>
        %and3A_265 = arith.andi %shift_right_logical3A_262, %and3A_264 : vector<16xi32>
        %and3A_266 = arith.constant 3 : i32
        %and3A_267 = vector.broadcast %and3A_266 : i32 to vector<16xi32>
        %and3A_268 = arith.andi %add3A_256, %and3A_267 : vector<16xi32>
        %add3A_269 = vector.broadcast %mul3A_61 : i32 to vector<16xi32>
        %add3A_270 = arith.addi %add3A_269, %and3A_268 : vector<16xi32>
        %mul3A_271 = arith.constant 4 : i32
        %mul3A_272 = arith.muli %add3A_190, %mul3A_271 : i32
        %add3A_273 = arith.addi %mul3A_79, %mul3A_272 : i32
        %add3A_274 = vector.broadcast %add3A_273 : i32 to vector<16xi32>
        %add3A_275 = arith.addi %add3A_274, %shift_right_logical3A_259 : vector<16xi32>
        %gather3A_276 = tpu.vector_load_idx %arg6[%add3A_270, %add3A_275] : memref<8x128xi32, #tpu.memory_space<vmem>>[vector<16xi32>, vector<16xi32>], vector<16xi32>,
        %shift_right_logical3A_277 = arith.constant 3 : i32
        %shift_right_logical3A_278 = vector.broadcast %shift_right_logical3A_277 : i32 to vector<16xi32>
        %shift_right_logical3A_279 = arith.shrui %gather3A_276, %shift_right_logical3A_278 : vector<16xi32>
        %mul3A_280 = arith.constant 64 : i32
        %mul3A_281 = vector.broadcast %mul3A_280 : i32 to vector<16xi32>
        %mul3A_282 = arith.muli %shift_right_logical3A_279, %mul3A_281 : vector<16xi32>
        %mul3A_283 = arith.constant 8 : i32
        %mul3A_284 = vector.broadcast %mul3A_283 : i32 to vector<16xi32>
        %mul3A_285 = arith.muli %and3A_265, %mul3A_284 : vector<16xi32>
        %add3A_286 = arith.addi %mul3A_282, %mul3A_285 : vector<16xi32>
        %and3A_287 = arith.constant 7 : i32
        %and3A_288 = vector.broadcast %and3A_287 : i32 to vector<16xi32>
        %and3A_289 = arith.andi %gather3A_276, %and3A_288 : vector<16xi32>
        %add3A_290 = arith.addi %add3A_286, %and3A_289 : vector<16xi32>
        %dma_start3A_291 = arith.constant 3 : i32
        %dma_start3A_292 = arith.constant 16 : i32
        %dma_start3A_293 = arith.constant 0 : i32
        %dma_start3A_294 = tpu.memref_slice %arg7[%dma_start3A_291, %dma_start3A_292, %dma_start3A_293] : memref<4x128x128xf32, #tpu.memory_space<vmem>> -> memref<1x16x128xf32, #tpu.memory_space<vmem>>
        %dma_start3A_295 = tpu.memref_squeeze %dma_start3A_294 : memref<1x16x128xf32, #tpu.memory_space<vmem>> -> memref<16x128xf32, #tpu.memory_space<vmem>>
        %dma_start3A_296 = arith.constant 0 : i32
        %dma_start3A_297 = arith.constant 0 : i32
        %dma_start3A_298 = tpu.memref_slice %arg4[%dma_start3A_296, %dma_start3A_297] : memref<800000x128xf32, #tpu.memory_space<hbm>> -> memref<800000x128xf32, #tpu.memory_space<hbm>>
        tpu.enqueue_indirect_dma source(%dma_start3A_298 : memref<800000x128xf32, #tpu.memory_space<hbm>>) target(%dma_start3A_295 : memref<16x128xf32, #tpu.memory_space<vmem>>) offsets(%add3A_290 : vector<16xi32>) semaphore(%arg12 : memref<!tpu.dma_semaphore, #tpu.memory_space<semaphore_mem>>)
        %add3A_299 = arith.constant 32 : i32
        %add3A_300 = vector.broadcast %add3A_299 : i32 to vector<16xi32>
        %add3A_301 = arith.addi %add3A_300, %iota3A : vector<16xi32>
        %shift_right_logical3A_302 = arith.constant 5 : i32
        %shift_right_logical3A_303 = vector.broadcast %shift_right_logical3A_302 : i32 to vector<16xi32>
        %shift_right_logical3A_304 = arith.shrui %add3A_301, %shift_right_logical3A_303 : vector<16xi32>
        %shift_right_logical3A_305 = arith.constant 2 : i32
        %shift_right_logical3A_306 = vector.broadcast %shift_right_logical3A_305 : i32 to vector<16xi32>
        %shift_right_logical3A_307 = arith.shrui %add3A_301, %shift_right_logical3A_306 : vector<16xi32>
        %and3A_308 = arith.constant 7 : i32
        %and3A_309 = vector.broadcast %and3A_308 : i32 to vector<16xi32>
        %and3A_310 = arith.andi %shift_right_logical3A_307, %and3A_309 : vector<16xi32>
        %and3A_311 = arith.constant 3 : i32
        %and3A_312 = vector.broadcast %and3A_311 : i32 to vector<16xi32>
        %and3A_313 = arith.andi %add3A_301, %and3A_312 : vector<16xi32>
        %add3A_314 = vector.broadcast %mul3A_61 : i32 to vector<16xi32>
        %add3A_315 = arith.addi %add3A_314, %and3A_313 : vector<16xi32>
        %mul3A_316 = arith.constant 4 : i32
        %mul3A_317 = arith.muli %add3A_190, %mul3A_316 : i32
        %add3A_318 = arith.addi %mul3A_79, %mul3A_317 : i32
        %add3A_319 = vector.broadcast %add3A_318 : i32 to vector<16xi32>
        %add3A_320 = arith.addi %add3A_319, %shift_right_logical3A_304 : vector<16xi32>
        %gather3A_321 = tpu.vector_load_idx %arg6[%add3A_315, %add3A_320] : memref<8x128xi32, #tpu.memory_space<vmem>>[vector<16xi32>, vector<16xi32>], vector<16xi32>,
        %shift_right_logical3A_322 = arith.constant 3 : i32
        %shift_right_logical3A_323 = vector.broadcast %shift_right_logical3A_322 : i32 to vector<16xi32>
        %shift_right_logical3A_324 = arith.shrui %gather3A_321, %shift_right_logical3A_323 : vector<16xi32>
        %mul3A_325 = arith.constant 64 : i32
        %mul3A_326 = vector.broadcast %mul3A_325 : i32 to vector<16xi32>
        %mul3A_327 = arith.muli %shift_right_logical3A_324, %mul3A_326 : vector<16xi32>
        %mul3A_328 = arith.constant 8 : i32
        %mul3A_329 = vector.broadcast %mul3A_328 : i32 to vector<16xi32>
        %mul3A_330 = arith.muli %and3A_310, %mul3A_329 : vector<16xi32>
        %add3A_331 = arith.addi %mul3A_327, %mul3A_330 : vector<16xi32>
        %and3A_332 = arith.constant 7 : i32
        %and3A_333 = vector.broadcast %and3A_332 : i32 to vector<16xi32>
        %and3A_334 = arith.andi %gather3A_321, %and3A_333 : vector<16xi32>
        %add3A_335 = arith.addi %add3A_331, %and3A_334 : vector<16xi32>
        %dma_start3A_336 = arith.constant 3 : i32
        %dma_start3A_337 = arith.constant 32 : i32
        %dma_start3A_338 = arith.constant 0 : i32
        %dma_start3A_339 = tpu.memref_slice %arg7[%dma_start3A_336, %dma_start3A_337, %dma_start3A_338] : memref<4x128x128xf32, #tpu.memory_space<vmem>> -> memref<1x16x128xf32, #tpu.memory_space<vmem>>
        %dma_start3A_340 = tpu.memref_squeeze %dma_start3A_339 : memref<1x16x128xf32, #tpu.memory_space<vmem>> -> memref<16x128xf32, #tpu.memory_space<vmem>>
        %dma_start3A_341 = arith.constant 0 : i32
        %dma_start3A_342 = arith.constant 0 : i32
        %dma_start3A_343 = tpu.memref_slice %arg4[%dma_start3A_341, %dma_start3A_342] : memref<800000x128xf32, #tpu.memory_space<hbm>> -> memref<800000x128xf32, #tpu.memory_space<hbm>>
        tpu.enqueue_indirect_dma source(%dma_start3A_343 : memref<800000x128xf32, #tpu.memory_space<hbm>>) target(%dma_start3A_340 : memref<16x128xf32, #tpu.memory_space<vmem>>) offsets(%add3A_335 : vector<16xi32>) semaphore(%arg12 : memref<!tpu.dma_semaphore, #tpu.memory_space<semaphore_mem>>)
        %add3A_344 = arith.constant 48 : i32
        %add3A_345 = vector.broadcast %add3A_344 : i32 to vector<16xi32>
        %add3A_346 = arith.addi %add3A_345, %iota3A : vector<16xi32>
        %shift_right_logical3A_347 = arith.constant 5 : i32
        %shift_right_logical3A_348 = vector.broadcast %shift_right_logical3A_347 : i32 to vector<16xi32>
        %shift_right_logical3A_349 = arith.shrui %add3A_346, %shift_right_logical3A_348 : vector<16xi32>
        %shift_right_logical3A_350 = arith.constant 2 : i32
        %shift_right_logical3A_351 = vector.broadcast %shift_right_logical3A_350 : i32 to vector<16xi32>
        %shift_right_logical3A_352 = arith.shrui %add3A_346, %shift_right_logical3A_351 : vector<16xi32>
        %and3A_353 = arith.constant 7 : i32
        %and3A_354 = vector.broadcast %and3A_353 : i32 to vector<16xi32>
        %and3A_355 = arith.andi %shift_right_logical3A_352, %and3A_354 : vector<16xi32>
        %and3A_356 = arith.constant 3 : i32
        %and3A_357 = vector.broadcast %and3A_356 : i32 to vector<16xi32>
        %and3A_358 = arith.andi %add3A_346, %and3A_357 : vector<16xi32>
        %add3A_359 = vector.broadcast %mul3A_61 : i32 to vector<16xi32>
        %add3A_360 = arith.addi %add3A_359, %and3A_358 : vector<16xi32>
        %mul3A_361 = arith.constant 4 : i32
        %mul3A_362 = arith.muli %add3A_190, %mul3A_361 : i32
        %add3A_363 = arith.addi %mul3A_79, %mul3A_362 : i32
        %add3A_364 = vector.broadcast %add3A_363 : i32 to vector<16xi32>
        %add3A_365 = arith.addi %add3A_364, %shift_right_logical3A_349 : vector<16xi32>
        %gather3A_366 = tpu.vector_load_idx %arg6[%add3A_360, %add3A_365] : memref<8x128xi32, #tpu.memory_space<vmem>>[vector<16xi32>, vector<16xi32>], vector<16xi32>,
        %shift_right_logical3A_367 = arith.constant 3 : i32
        %shift_right_logical3A_368 = vector.broadcast %shift_right_logical3A_367 : i32 to vector<16xi32>
        %shift_right_logical3A_369 = arith.shrui %gather3A_366, %shift_right_logical3A_368 : vector<16xi32>
        %mul3A_370 = arith.constant 64 : i32
        %mul3A_371 = vector.broadcast %mul3A_370 : i32 to vector<16xi32>
        %mul3A_372 = arith.muli %shift_right_logical3A_369, %mul3A_371 : vector<16xi32>
        %mul3A_373 = arith.constant 8 : i32
        %mul3A_374 = vector.broadcast %mul3A_373 : i32 to vector<16xi32>
        %mul3A_375 = arith.muli %and3A_355, %mul3A_374 : vector<16xi32>
        %add3A_376 = arith.addi %mul3A_372, %mul3A_375 : vector<16xi32>
        %and3A_377 = arith.constant 7 : i32
        %and3A_378 = vector.broadcast %and3A_377 : i32 to vector<16xi32>
        %and3A_379 = arith.andi %gather3A_366, %and3A_378 : vector<16xi32>
        %add3A_380 = arith.addi %add3A_376, %and3A_379 : vector<16xi32>
        %dma_start3A_381 = arith.constant 3 : i32
        %dma_start3A_382 = arith.constant 48 : i32
        %dma_start3A_383 = arith.constant 0 : i32
        %dma_start3A_384 = tpu.memref_slice %arg7[%dma_start3A_381, %dma_start3A_382, %dma_start3A_383] : memref<4x128x128xf32, #tpu.memory_space<vmem>> -> memref<1x16x128xf32, #tpu.memory_space<vmem>>
        %dma_start3A_385 = tpu.memref_squeeze %dma_start3A_384 : memref<1x16x128xf32, #tpu.memory_space<vmem>> -> memref<16x128xf32, #tpu.memory_space<vmem>>
        %dma_start3A_386 = arith.constant 0 : i32
        %dma_start3A_387 = arith.constant 0 : i32
        %dma_start3A_388 = tpu.memref_slice %arg4[%dma_start3A_386, %dma_start3A_387] : memref<800000x128xf32, #tpu.memory_space<hbm>> -> memref<800000x128xf32, #tpu.memory_space<hbm>>
        tpu.enqueue_indirect_dma source(%dma_start3A_388 : memref<800000x128xf32, #tpu.memory_space<hbm>>) target(%dma_start3A_385 : memref<16x128xf32, #tpu.memory_space<vmem>>) offsets(%add3A_380 : vector<16xi32>) semaphore(%arg12 : memref<!tpu.dma_semaphore, #tpu.memory_space<semaphore_mem>>)
        %add3A_389 = arith.constant 64 : i32
        %add3A_390 = vector.broadcast %add3A_389 : i32 to vector<16xi32>
        %add3A_391 = arith.addi %add3A_390, %iota3A : vector<16xi32>
        %shift_right_logical3A_392 = arith.constant 5 : i32
        %shift_right_logical3A_393 = vector.broadcast %shift_right_logical3A_392 : i32 to vector<16xi32>
        %shift_right_logical3A_394 = arith.shrui %add3A_391, %shift_right_logical3A_393 : vector<16xi32>
        %shift_right_logical3A_395 = arith.constant 2 : i32
        %shift_right_logical3A_396 = vector.broadcast %shift_right_logical3A_395 : i32 to vector<16xi32>
        %shift_right_logical3A_397 = arith.shrui %add3A_391, %shift_right_logical3A_396 : vector<16xi32>
        %and3A_398 = arith.constant 7 : i32
        %and3A_399 = vector.broadcast %and3A_398 : i32 to vector<16xi32>
        %and3A_400 = arith.andi %shift_right_logical3A_397, %and3A_399 : vector<16xi32>
        %and3A_401 = arith.constant 3 : i32
        %and3A_402 = vector.broadcast %and3A_401 : i32 to vector<16xi32>
        %and3A_403 = arith.andi %add3A_391, %and3A_402 : vector<16xi32>
        %add3A_404 = vector.broadcast %mul3A_61 : i32 to vector<16xi32>
        %add3A_405 = arith.addi %add3A_404, %and3A_403 : vector<16xi32>
        %mul3A_406 = arith.constant 4 : i32
        %mul3A_407 = arith.muli %add3A_190, %mul3A_406 : i32
        %add3A_408 = arith.addi %mul3A_79, %mul3A_407 : i32
        %add3A_409 = vector.broadcast %add3A_408 : i32 to vector<16xi32>
        %add3A_410 = arith.addi %add3A_409, %shift_right_logical3A_394 : vector<16xi32>
        %gather3A_411 = tpu.vector_load_idx %arg6[%add3A_405, %add3A_410] : memref<8x128xi32, #tpu.memory_space<vmem>>[vector<16xi32>, vector<16xi32>], vector<16xi32>,
        %shift_right_logical3A_412 = arith.constant 3 : i32
        %shift_right_logical3A_413 = vector.broadcast %shift_right_logical3A_412 : i32 to vector<16xi32>
        %shift_right_logical3A_414 = arith.shrui %gather3A_411, %shift_right_logical3A_413 : vector<16xi32>
        %mul3A_415 = arith.constant 64 : i32
        %mul3A_416 = vector.broadcast %mul3A_415 : i32 to vector<16xi32>
        %mul3A_417 = arith.muli %shift_right_logical3A_414, %mul3A_416 : vector<16xi32>
        %mul3A_418 = arith.constant 8 : i32
        %mul3A_419 = vector.broadcast %mul3A_418 : i32 to vector<16xi32>
        %mul3A_420 = arith.muli %and3A_400, %mul3A_419 : vector<16xi32>
        %add3A_421 = arith.addi %mul3A_417, %mul3A_420 : vector<16xi32>
        %and3A_422 = arith.constant 7 : i32
        %and3A_423 = vector.broadcast %and3A_422 : i32 to vector<16xi32>
        %and3A_424 = arith.andi %gather3A_411, %and3A_423 : vector<16xi32>
        %add3A_425 = arith.addi %add3A_421, %and3A_424 : vector<16xi32>
        %dma_start3A_426 = arith.constant 3 : i32
        %dma_start3A_427 = arith.constant 64 : i32
        %dma_start3A_428 = arith.constant 0 : i32
        %dma_start3A_429 = tpu.memref_slice %arg7[%dma_start3A_426, %dma_start3A_427, %dma_start3A_428] : memref<4x128x128xf32, #tpu.memory_space<vmem>> -> memref<1x16x128xf32, #tpu.memory_space<vmem>>
        %dma_start3A_430 = tpu.memref_squeeze %dma_start3A_429 : memref<1x16x128xf32, #tpu.memory_space<vmem>> -> memref<16x128xf32, #tpu.memory_space<vmem>>
        %dma_start3A_431 = arith.constant 0 : i32
        %dma_start3A_432 = arith.constant 0 : i32
        %dma_start3A_433 = tpu.memref_slice %arg4[%dma_start3A_431, %dma_start3A_432] : memref<800000x128xf32, #tpu.memory_space<hbm>> -> memref<800000x128xf32, #tpu.memory_space<hbm>>
        tpu.enqueue_indirect_dma source(%dma_start3A_433 : memref<800000x128xf32, #tpu.memory_space<hbm>>) target(%dma_start3A_430 : memref<16x128xf32, #tpu.memory_space<vmem>>) offsets(%add3A_425 : vector<16xi32>) semaphore(%arg12 : memref<!tpu.dma_semaphore, #tpu.memory_space<semaphore_mem>>)
        %add3A_434 = arith.constant 80 : i32
        %add3A_435 = vector.broadcast %add3A_434 : i32 to vector<16xi32>
        %add3A_436 = arith.addi %add3A_435, %iota3A : vector<16xi32>
        %shift_right_logical3A_437 = arith.constant 5 : i32
        %shift_right_logical3A_438 = vector.broadcast %shift_right_logical3A_437 : i32 to vector<16xi32>
        %shift_right_logical3A_439 = arith.shrui %add3A_436, %shift_right_logical3A_438 : vector<16xi32>
        %shift_right_logical3A_440 = arith.constant 2 : i32
        %shift_right_logical3A_441 = vector.broadcast %shift_right_logical3A_440 : i32 to vector<16xi32>
        %shift_right_logical3A_442 = arith.shrui %add3A_436, %shift_right_logical3A_441 : vector<16xi32>
        %and3A_443 = arith.constant 7 : i32
        %and3A_444 = vector.broadcast %and3A_443 : i32 to vector<16xi32>
        %and3A_445 = arith.andi %shift_right_logical3A_442, %and3A_444 : vector<16xi32>
        %and3A_446 = arith.constant 3 : i32
        %and3A_447 = vector.broadcast %and3A_446 : i32 to vector<16xi32>
        %and3A_448 = arith.andi %add3A_436, %and3A_447 : vector<16xi32>
        %add3A_449 = vector.broadcast %mul3A_61 : i32 to vector<16xi32>
        %add3A_450 = arith.addi %add3A_449, %and3A_448 : vector<16xi32>
        %mul3A_451 = arith.constant 4 : i32
        %mul3A_452 = arith.muli %add3A_190, %mul3A_451 : i32
        %add3A_453 = arith.addi %mul3A_79, %mul3A_452 : i32
        %add3A_454 = vector.broadcast %add3A_453 : i32 to vector<16xi32>
        %add3A_455 = arith.addi %add3A_454, %shift_right_logical3A_439 : vector<16xi32>
        %gather3A_456 = tpu.vector_load_idx %arg6[%add3A_450, %add3A_455] : memref<8x128xi32, #tpu.memory_space<vmem>>[vector<16xi32>, vector<16xi32>], vector<16xi32>,
        %shift_right_logical3A_457 = arith.constant 3 : i32
        %shift_right_logical3A_458 = vector.broadcast %shift_right_logical3A_457 : i32 to vector<16xi32>
        %shift_right_logical3A_459 = arith.shrui %gather3A_456, %shift_right_logical3A_458 : vector<16xi32>
        %mul3A_460 = arith.constant 64 : i32
        %mul3A_461 = vector.broadcast %mul3A_460 : i32 to vector<16xi32>
        %mul3A_462 = arith.muli %shift_right_logical3A_459, %mul3A_461 : vector<16xi32>
        %mul3A_463 = arith.constant 8 : i32
        %mul3A_464 = vector.broadcast %mul3A_463 : i32 to vector<16xi32>
        %mul3A_465 = arith.muli %and3A_445, %mul3A_464 : vector<16xi32>
        %add3A_466 = arith.addi %mul3A_462, %mul3A_465 : vector<16xi32>
        %and3A_467 = arith.constant 7 : i32
        %and3A_468 = vector.broadcast %and3A_467 : i32 to vector<16xi32>
        %and3A_469 = arith.andi %gather3A_456, %and3A_468 : vector<16xi32>
        %add3A_470 = arith.addi %add3A_466, %and3A_469 : vector<16xi32>
        %dma_start3A_471 = arith.constant 3 : i32
        %dma_start3A_472 = arith.constant 80 : i32
        %dma_start3A_473 = arith.constant 0 : i32
        %dma_start3A_474 = tpu.memref_slice %arg7[%dma_start3A_471, %dma_start3A_472, %dma_start3A_473] : memref<4x128x128xf32, #tpu.memory_space<vmem>> -> memref<1x16x128xf32, #tpu.memory_space<vmem>>
        %dma_start3A_475 = tpu.memref_squeeze %dma_start3A_474 : memref<1x16x128xf32, #tpu.memory_space<vmem>> -> memref<16x128xf32, #tpu.memory_space<vmem>>
        %dma_start3A_476 = arith.constant 0 : i32
        %dma_start3A_477 = arith.constant 0 : i32
        %dma_start3A_478 = tpu.memref_slice %arg4[%dma_start3A_476, %dma_start3A_477] : memref<800000x128xf32, #tpu.memory_space<hbm>> -> memref<800000x128xf32, #tpu.memory_space<hbm>>
        tpu.enqueue_indirect_dma source(%dma_start3A_478 : memref<800000x128xf32, #tpu.memory_space<hbm>>) target(%dma_start3A_475 : memref<16x128xf32, #tpu.memory_space<vmem>>) offsets(%add3A_470 : vector<16xi32>) semaphore(%arg12 : memref<!tpu.dma_semaphore, #tpu.memory_space<semaphore_mem>>)
        %add3A_479 = arith.constant 96 : i32
        %add3A_480 = vector.broadcast %add3A_479 : i32 to vector<16xi32>
        %add3A_481 = arith.addi %add3A_480, %iota3A : vector<16xi32>
        %shift_right_logical3A_482 = arith.constant 5 : i32
        %shift_right_logical3A_483 = vector.broadcast %shift_right_logical3A_482 : i32 to vector<16xi32>
        %shift_right_logical3A_484 = arith.shrui %add3A_481, %shift_right_logical3A_483 : vector<16xi32>
        %shift_right_logical3A_485 = arith.constant 2 : i32
        %shift_right_logical3A_486 = vector.broadcast %shift_right_logical3A_485 : i32 to vector<16xi32>
        %shift_right_logical3A_487 = arith.shrui %add3A_481, %shift_right_logical3A_486 : vector<16xi32>
        %and3A_488 = arith.constant 7 : i32
        %and3A_489 = vector.broadcast %and3A_488 : i32 to vector<16xi32>
        %and3A_490 = arith.andi %shift_right_logical3A_487, %and3A_489 : vector<16xi32>
        %and3A_491 = arith.constant 3 : i32
        %and3A_492 = vector.broadcast %and3A_491 : i32 to vector<16xi32>
        %and3A_493 = arith.andi %add3A_481, %and3A_492 : vector<16xi32>
        %add3A_494 = vector.broadcast %mul3A_61 : i32 to vector<16xi32>
        %add3A_495 = arith.addi %add3A_494, %and3A_493 : vector<16xi32>
        %mul3A_496 = arith.constant 4 : i32
        %mul3A_497 = arith.muli %add3A_190, %mul3A_496 : i32
        %add3A_498 = arith.addi %mul3A_79, %mul3A_497 : i32
        %add3A_499 = vector.broadcast %add3A_498 : i32 to vector<16xi32>
        %add3A_500 = arith.addi %add3A_499, %shift_right_logical3A_484 : vector<16xi32>
        %gather3A_501 = tpu.vector_load_idx %arg6[%add3A_495, %add3A_500] : memref<8x128xi32, #tpu.memory_space<vmem>>[vector<16xi32>, vector<16xi32>], vector<16xi32>,
        %shift_right_logical3A_502 = arith.constant 3 : i32
        %shift_right_logical3A_503 = vector.broadcast %shift_right_logical3A_502 : i32 to vector<16xi32>
        %shift_right_logical3A_504 = arith.shrui %gather3A_501, %shift_right_logical3A_503 : vector<16xi32>
        %mul3A_505 = arith.constant 64 : i32
        %mul3A_506 = vector.broadcast %mul3A_505 : i32 to vector<16xi32>
        %mul3A_507 = arith.muli %shift_right_logical3A_504, %mul3A_506 : vector<16xi32>
        %mul3A_508 = arith.constant 8 : i32
        %mul3A_509 = vector.broadcast %mul3A_508 : i32 to vector<16xi32>
        %mul3A_510 = arith.muli %and3A_490, %mul3A_509 : vector<16xi32>
        %add3A_511 = arith.addi %mul3A_507, %mul3A_510 : vector<16xi32>
        %and3A_512 = arith.constant 7 : i32
        %and3A_513 = vector.broadcast %and3A_512 : i32 to vector<16xi32>
        %and3A_514 = arith.andi %gather3A_501, %and3A_513 : vector<16xi32>
        %add3A_515 = arith.addi %add3A_511, %and3A_514 : vector<16xi32>
        %dma_start3A_516 = arith.constant 3 : i32
        %dma_start3A_517 = arith.constant 96 : i32
        %dma_start3A_518 = arith.constant 0 : i32
        %dma_start3A_519 = tpu.memref_slice %arg7[%dma_start3A_516, %dma_start3A_517, %dma_start3A_518] : memref<4x128x128xf32, #tpu.memory_space<vmem>> -> memref<1x16x128xf32, #tpu.memory_space<vmem>>
        %dma_start3A_520 = tpu.memref_squeeze %dma_start3A_519 : memref<1x16x128xf32, #tpu.memory_space<vmem>> -> memref<16x128xf32, #tpu.memory_space<vmem>>
        %dma_start3A_521 = arith.constant 0 : i32
        %dma_start3A_522 = arith.constant 0 : i32
        %dma_start3A_523 = tpu.memref_slice %arg4[%dma_start3A_521, %dma_start3A_522] : memref<800000x128xf32, #tpu.memory_space<hbm>> -> memref<800000x128xf32, #tpu.memory_space<hbm>>
        tpu.enqueue_indirect_dma source(%dma_start3A_523 : memref<800000x128xf32, #tpu.memory_space<hbm>>) target(%dma_start3A_520 : memref<16x128xf32, #tpu.memory_space<vmem>>) offsets(%add3A_515 : vector<16xi32>) semaphore(%arg12 : memref<!tpu.dma_semaphore, #tpu.memory_space<semaphore_mem>>)
        %add3A_524 = arith.constant 112 : i32
        %add3A_525 = vector.broadcast %add3A_524 : i32 to vector<16xi32>
        %add3A_526 = arith.addi %add3A_525, %iota3A : vector<16xi32>
        %shift_right_logical3A_527 = arith.constant 5 : i32
        %shift_right_logical3A_528 = vector.broadcast %shift_right_logical3A_527 : i32 to vector<16xi32>
        %shift_right_logical3A_529 = arith.shrui %add3A_526, %shift_right_logical3A_528 : vector<16xi32>
        %shift_right_logical3A_530 = arith.constant 2 : i32
        %shift_right_logical3A_531 = vector.broadcast %shift_right_logical3A_530 : i32 to vector<16xi32>
        %shift_right_logical3A_532 = arith.shrui %add3A_526, %shift_right_logical3A_531 : vector<16xi32>
        %and3A_533 = arith.constant 7 : i32
        %and3A_534 = vector.broadcast %and3A_533 : i32 to vector<16xi32>
        %and3A_535 = arith.andi %shift_right_logical3A_532, %and3A_534 : vector<16xi32>
        %and3A_536 = arith.constant 3 : i32
        %and3A_537 = vector.broadcast %and3A_536 : i32 to vector<16xi32>
        %and3A_538 = arith.andi %add3A_526, %and3A_537 : vector<16xi32>
        %add3A_539 = vector.broadcast %mul3A_61 : i32 to vector<16xi32>
        %add3A_540 = arith.addi %add3A_539, %and3A_538 : vector<16xi32>
        %mul3A_541 = arith.constant 4 : i32
        %mul3A_542 = arith.muli %add3A_190, %mul3A_541 : i32
        %add3A_543 = arith.addi %mul3A_79, %mul3A_542 : i32
        %add3A_544 = vector.broadcast %add3A_543 : i32 to vector<16xi32>
        %add3A_545 = arith.addi %add3A_544, %shift_right_logical3A_529 : vector<16xi32>
        %gather3A_546 = tpu.vector_load_idx %arg6[%add3A_540, %add3A_545] : memref<8x128xi32, #tpu.memory_space<vmem>>[vector<16xi32>, vector<16xi32>], vector<16xi32>,
        %shift_right_logical3A_547 = arith.constant 3 : i32
        %shift_right_logical3A_548 = vector.broadcast %shift_right_logical3A_547 : i32 to vector<16xi32>
        %shift_right_logical3A_549 = arith.shrui %gather3A_546, %shift_right_logical3A_548 : vector<16xi32>
        %mul3A_550 = arith.constant 64 : i32
        %mul3A_551 = vector.broadcast %mul3A_550 : i32 to vector<16xi32>
        %mul3A_552 = arith.muli %shift_right_logical3A_549, %mul3A_551 : vector<16xi32>
        %mul3A_553 = arith.constant 8 : i32
        %mul3A_554 = vector.broadcast %mul3A_553 : i32 to vector<16xi32>
        %mul3A_555 = arith.muli %and3A_535, %mul3A_554 : vector<16xi32>
        %add3A_556 = arith.addi %mul3A_552, %mul3A_555 : vector<16xi32>
        %and3A_557 = arith.constant 7 : i32
        %and3A_558 = vector.broadcast %and3A_557 : i32 to vector<16xi32>
        %and3A_559 = arith.andi %gather3A_546, %and3A_558 : vector<16xi32>
        %add3A_560 = arith.addi %add3A_556, %and3A_559 : vector<16xi32>
        %dma_start3A_561 = arith.constant 3 : i32
        %dma_start3A_562 = arith.constant 112 : i32
        %dma_start3A_563 = arith.constant 0 : i32
        %dma_start3A_564 = tpu.memref_slice %arg7[%dma_start3A_561, %dma_start3A_562, %dma_start3A_563] : memref<4x128x128xf32, #tpu.memory_space<vmem>> -> memref<1x16x128xf32, #tpu.memory_space<vmem>>
        %dma_start3A_565 = tpu.memref_squeeze %dma_start3A_564 : memref<1x16x128xf32, #tpu.memory_space<vmem>> -> memref<16x128xf32, #tpu.memory_space<vmem>>
        %dma_start3A_566 = arith.constant 0 : i32
        %dma_start3A_567 = arith.constant 0 : i32
        %dma_start3A_568 = tpu.memref_slice %arg4[%dma_start3A_566, %dma_start3A_567] : memref<800000x128xf32, #tpu.memory_space<hbm>> -> memref<800000x128xf32, #tpu.memory_space<hbm>>
        tpu.enqueue_indirect_dma source(%dma_start3A_568 : memref<800000x128xf32, #tpu.memory_space<hbm>>) target(%dma_start3A_565 : memref<16x128xf32, #tpu.memory_space<vmem>>) offsets(%add3A_560 : vector<16xi32>) semaphore(%arg12 : memref<!tpu.dma_semaphore, #tpu.memory_space<semaphore_mem>>)
      } else {
      }
      %ge3A_204 = arith.constant 2 : i32
      %ge3A_205 = arith.cmpi sge, %add3A_190, %ge3A_204 : i32
      %lt3A_206 = arith.constant 18 : i32
      %lt3A_207 = arith.cmpi slt, %add3A_190, %lt3A_206 : i32
      %and3A_208 = arith.andi %ge3A_205, %lt3A_207 : i1
      %convert_element_type3A_209 = arith.extui %and3A_208 : i1 to i32
      %cond3A_210 = arith.constant 0 : i32
      %cond3A_211 = arith.cmpi ne, %convert_element_type3A_209, %cond3A_210 : i32
      scf.if %cond3A_211 {
        %dma_wait3A = arith.constant 1 : i32
        %dma_wait3A_212 = arith.constant 0 : i32
        %dma_wait3A_213 = arith.constant 0 : i32
        %dma_wait3A_214 = tpu.memref_slice %arg7[%dma_wait3A, %dma_wait3A_212, %dma_wait3A_213] : memref<4x128x128xf32, #tpu.memory_space<vmem>> -> memref<1x128x128xf32, #tpu.memory_space<vmem>>
        %dma_wait3A_215 = tpu.memref_squeeze %dma_wait3A_214 : memref<1x128x128xf32, #tpu.memory_space<vmem>> -> memref<128x128xf32, #tpu.memory_space<vmem>>
        %dma_wait3A_216 = arith.constant 0 : i32
        %dma_wait3A_217 = arith.constant 0 : i32
        %dma_wait3A_218 = tpu.memref_slice %arg4[%dma_wait3A_216, %dma_wait3A_217] : memref<800000x128xf32, #tpu.memory_space<hbm>> -> memref<128x128xf32, #tpu.memory_space<hbm>>
        %dma_wait3A_219 = arith.constant 0 : i32
        %dma_wait3A_220 = arith.constant 0 : i32
        %dma_wait3A_221 = tpu.memref_slice %arg7[%dma_wait3A, %dma_wait3A_219, %dma_wait3A_220] : memref<4x128x128xf32, #tpu.memory_space<vmem>> -> memref<1x128x128xf32, #tpu.memory_space<vmem>>
        %dma_wait3A_222 = tpu.memref_squeeze %dma_wait3A_221 : memref<1x128x128xf32, #tpu.memory_space<vmem>> -> memref<128x128xf32, #tpu.memory_space<vmem>>
        %dma_wait3A_223 = arith.constant 0 : i32
        %dma_wait3A_224 = arith.constant 0 : i32
        %dma_wait3A_225 = tpu.memref_slice %arg4[%dma_wait3A_223, %dma_wait3A_224] : memref<800000x128xf32, #tpu.memory_space<hbm>> -> memref<128x128xf32, #tpu.memory_space<hbm>>
        tpu.wait_dma2 semaphore(%arg10 : memref<!tpu.dma_semaphore, #tpu.memory_space<semaphore_mem>>) src(%dma_wait3A_225 : memref<128x128xf32, #tpu.memory_space<hbm>>) dst(%dma_wait3A_222 : memref<128x128xf32, #tpu.memory_space<vmem>>)
        %sub3A_226 = arith.constant 2 : i32
        %sub3A_227 = arith.subi %add3A_190, %sub3A_226 : i32
        %add3A_228 = arith.constant 20 : i32
        %add3A_229 = arith.addi %add3A_228, %multiple_of3A : i32
        %mul3A_230 = arith.constant 4 : i32
        %mul3A_231 = arith.muli %sub3A_227, %mul3A_230 : i32
        %add3A_232 = arith.addi %add3A_229, %mul3A_231 : i32
        %mul3A_233 = arith.constant 32 : i32
        %mul3A_234 = arith.muli %add3A_232, %mul3A_233 : i32
        %multiple_of3A_235 = tpu.assume_multiple %mul3A_234, 128 : i32
        %dma_start3A = arith.constant 1 : i32
        %dma_start3A_236 = arith.constant 0 : i32
        %dma_start3A_237 = arith.constant 0 : i32
        %dma_start3A_238 = tpu.memref_slice %arg7[%dma_start3A, %dma_start3A_236, %dma_start3A_237] : memref<4x128x128xf32, #tpu.memory_space<vmem>> -> memref<1x128x128xf32, #tpu.memory_space<vmem>>
        %dma_start3A_239 = tpu.memref_squeeze %dma_start3A_238 : memref<1x128x128xf32, #tpu.memory_space<vmem>> -> memref<128x128xf32, #tpu.memory_space<vmem>>
        %dma_start3A_240 = arith.constant 0 : i32
        %dma_start3A_241 = tpu.memref_slice %arg5[%multiple_of3A_235, %dma_start3A_240] : memref<66176x128xf32, #tpu.memory_space<hbm>> -> memref<128x128xf32, #tpu.memory_space<hbm>>
        %dma_start3A_242 = arith.constant 0 : i32
        %dma_start3A_243 = tpu.memref_slice %arg5[%multiple_of3A_235, %dma_start3A_242] : memref<66176x128xf32, #tpu.memory_space<hbm>> -> memref<128x128xf32, #tpu.memory_space<hbm>>
        %dma_start3A_244 = arith.constant 0 : i32
        %dma_start3A_245 = arith.constant 0 : i32
        %dma_start3A_246 = tpu.memref_slice %arg7[%dma_start3A, %dma_start3A_244, %dma_start3A_245] : memref<4x128x128xf32, #tpu.memory_space<vmem>> -> memref<1x128x128xf32, #tpu.memory_space<vmem>>
        %dma_start3A_247 = tpu.memref_squeeze %dma_start3A_246 : memref<1x128x128xf32, #tpu.memory_space<vmem>> -> memref<128x128xf32, #tpu.memory_space<vmem>>
        tpu.enqueue_dma source(%dma_start3A_247 : memref<128x128xf32, #tpu.memory_space<vmem>>) target(%dma_start3A_243 : memref<128x128xf32, #tpu.memory_space<hbm>>) target_semaphore(%arg14 : memref<!tpu.dma_semaphore, #tpu.memory_space<semaphore_mem>>)
      } else {
      }
    }
    %scan3A_106 = arith.constant 5 : i32
    %lt3A_107 = arith.constant 8 : i32
    %lt3A_108 = arith.cmpi slt, %add3A, %lt3A_107 : i32
    %convert_element_type3A_109 = arith.extui %lt3A_108 : i1 to i32
    %cond3A_110 = arith.constant 0 : i32
    %cond3A_111 = arith.cmpi ne, %convert_element_type3A_109, %cond3A_110 : i32
    scf.if %cond3A_111 {
      %dma_wait3A = arith.constant 0 : i32
      %dma_wait3A_112 = tpu.memref_slice %arg3[%multiple_of3A_98, %dma_wait3A] : memref<640x128xf32, #tpu.memory_space<hbm>> -> memref<80x128xf32, #tpu.memory_space<hbm>>
      %dma_wait3A_113 = arith.constant 0 : i32
      %dma_wait3A_114 = tpu.memref_slice %arg3[%multiple_of3A_98, %dma_wait3A_113] : memref<640x128xf32, #tpu.memory_space<hbm>> -> memref<80x128xf32, #tpu.memory_space<hbm>>
      tpu.wait_dma2 semaphore(%arg17 : memref<!tpu.dma_semaphore, #tpu.memory_space<semaphore_mem>>) src(%dma_wait3A_114 : memref<80x128xf32, #tpu.memory_space<hbm>>) dst(%arg8 : memref<80x128xf32, #tpu.memory_space<vmem>>)
      %dma_start3A = arith.constant 0 : i32
      %dma_start3A_115 = tpu.memref_slice %arg5[%multiple_of3A_98, %dma_start3A] : memref<66176x128xf32, #tpu.memory_space<hbm>> -> memref<80x128xf32, #tpu.memory_space<hbm>>
      %dma_start3A_116 = arith.constant 0 : i32
      %dma_start3A_117 = tpu.memref_slice %arg5[%multiple_of3A_98, %dma_start3A_116] : memref<66176x128xf32, #tpu.memory_space<hbm>> -> memref<80x128xf32, #tpu.memory_space<hbm>>
      tpu.enqueue_dma source(%arg8 : memref<80x128xf32, #tpu.memory_space<vmem>>) target(%dma_start3A_117 : memref<80x128xf32, #tpu.memory_space<hbm>>) target_semaphore(%arg17 : memref<!tpu.dma_semaphore, #tpu.memory_space<semaphore_mem>>)
      %dma_wait3A_118 = arith.constant 0 : i32
      %dma_wait3A_119 = tpu.memref_slice %arg5[%multiple_of3A_98, %dma_wait3A_118] : memref<66176x128xf32, #tpu.memory_space<hbm>> -> memref<80x128xf32, #tpu.memory_space<hbm>>
      %dma_wait3A_120 = arith.constant 0 : i32
      %dma_wait3A_121 = tpu.memref_slice %arg5[%multiple_of3A_98, %dma_wait3A_120] : memref<66176x128xf32, #tpu.memory_space<hbm>> -> memref<80x128xf32, #tpu.memory_space<hbm>>
      tpu.wait_dma2 semaphore(%arg17 : memref<!tpu.dma_semaphore, #tpu.memory_space<semaphore_mem>>) src(%arg8 : memref<80x128xf32, #tpu.memory_space<vmem>>) dst(%dma_wait3A_121 : memref<80x128xf32, #tpu.memory_space<hbm>>)
    } else {
    }
    return
  }
}

</mosaic_0001>

<sc_bundles>
// kernel: kernel.3.cloned.1.call-start
scs
__scs_entry_jumppad:
0x0: {  	(pc) =	sbr.rel $0x88, $3  }
0x1: {  	(tag) =	ssettag $0x0;
	lr =	simm.s32 $0x1  }
0x2: {  	[smem:$0x3F9E] =	sst lr;
	_ =	strace $0xD0000000  }
0x3: {  	_ = 	snop  }
0x4: {  	_ = 	snop  }
0x5: {  	_ = 	snop  }
0x6: {  	_ = 	snop  }
0x7: {  	_ = 	snop  }
__scs_overlays_trampoline_lowered:
0x8: {  	[smem:$0x3FAD] =	sst s0  }
0x9: {  	[smem:$0x3FAE] =	sst s1  }
0xa: {  	[smem:$0x3FAF] =	sst s2  }
0xb: {  	[smem:$0x3FB0] =	sst s3  }
0xc: {  	[smem:$0x3FB1] =	sst s4  }
0xd: {  	[smem:$0x3FB2] =	sst s5  }
0xe: {  	[smem:$0x3FB3] =	sst s6  }
0xf: {  	[smem:$0x3FB4] =	sst s7  }
0x10: {  	[smem:$0x3FB5] =	sst s8  }
0x11: {  	[smem:$0x3FB6] =	sst s9;
	s0 =	simm.s32 @!p0 $0x0  }
0x12: {  	s1 =	sld [smem:$0x3F9C];
	s0 =	simm.s32 @p0 $0x1  }
0x13: {  	[smem:$0x3FB7] =	sst s0;
	s0 =	simm.s32 @!p1 $0x0  }
0x14: {  	s2 =	sld [smem:$0x3F9B];
	s0 =	simm.s32 @p1 $0x1  }
0x15: {  	[smem:$0x3FB8] =	sst s0;
	s0 =	simm.s32 @!p2 $0x0  }
0x16: {  	s3 =	sld [smem:$0x3FDB];
	s0 =	simm.s32 @p2 $0x1  }
0x17: {  	s4 =	simm.s32 $0x1BF5;
	[smem:$0x3FBA] =	sst s0  }
0x18: {  	s0 =	sld [smem:$0x3F9D];
	_ =	swait.ge [sflag:s4], $0x0  }
0x19: {  	s7 =	sld [smem:$0x3F9E]  }
0x1a: {  	s8 =	sadd.s32 $0xFFFFE003, lr  }
0x1b: {  	s9 =	sadd.s32 $0xFFFFFEF7, lr;
	s5 =	simm.s32 $0xFFFFFFFF;
	p2 =	slt.u32 s8, $0xFFFFF086  }
0x1c: {  	p1 =	slt.u32 s9, $0xF7A;
	s5 =	simm.s32 @!p2 $0x0  }
0x1d: {  	s5 =	simm.s32 @p1 $0x1;
	p0 =	seq.s32 s7, s2  }
0x1e: {  	s7 =	smul.u32 @!p0 $0xF7A, s2;
	p2 =	seq.s32 @!p0 s5, $0x0  }
0x1f: {  	s9 =	smul.u32 $0xF7A, s1;
	s8 =	simm.s32 @!p0 $0x1BF5;
	p2 =	por !p2, p0  }
0x20: {  	[sflag:s8] =	ssyncset.s32 @!p0 $0xFFFFF086;
	s6 =	sadd.s32 @!p0 s3, s7;
	s7 =	simm.s32 @!p0 $0x108  }
0x21: {  	s3 =	sadd.s32 s3, s9;
	s6 =	sadd.s32 @!p0 $0x88, s6;
	s7 =	simm.s32 @p2 $0x1082  }
0x22: {  	[simem:s7], [sflag:s8] =	dma.local @!p0 [hbm:s6], $0xF7A  }
0x23: {  	s9 =	sor.u32 $0xD0000000, s2;
	s6 =	simm.s32 $0x108;
	_ =	swait.ge @!p0 [sflag:s8], $0x0  }
0x24: {  	s3 =	sadd.s32 $0x88, s3;
	s6 =	simm.s32 @!p1 $0x1082;
	[sflag:s4] =	ssyncset.s32 $0xFFFFF086  }
0x25: {  	[simem:s6], [sflag:s4] =	dma.local [hbm:s3], $0xF7A  }
0x26: {  	[smem:$0x3F9E] =	sst s1;
	(tag) =	ssettag s2;
	_ =	strace s9  }
0x27: {  	s1 =	sld [smem:$0x3FAE]  }
0x28: {  	s2 =	sld [smem:$0x3FAF]  }
0x29: {  	s4 =	sld [smem:$0x3FB1]  }
0x2a: {  	p0 =	seq.s32 s5, $0x0;
	s5 =	sld [smem:$0x3FB2]  }
0x2b: {  	s6 =	sld [smem:$0x3FB3]  }
0x2c: {  	s7 =	sld [smem:$0x3FB4]  }
0x2d: {  	s3 =	simm.s32 $0x108;
	s8 =	sld [smem:$0x3FB5]  }
0x2e: {  	s3 =	simm.s32 @!p0 $0x1082;
	s9 =	sld [smem:$0x3FB6]  }
0x2f: {  	lr =	sadd.s32 s0, s3;
	s0 =	sld [smem:$0x3FAD]  }
0x30: {  	s3 =	sld [smem:$0x3FB0]  }
0x31: {  	[smem:$0x3FB9] =	sst s10  }
0x32: {  	s10 =	sld [smem:$0x3FB7];
	_ =	sdelay $0x3  }
0x33: {  	p0 =	seq.s32 s10, $0x1;
	s10 =	sld [smem:$0x3FB9];
	_ =	sdelay $0x3  }
0x34: {  	[smem:$0x3FB9] =	sst s10  }
0x35: {  	s10 =	sld [smem:$0x3FB8];
	_ =	sdelay $0x3  }
0x36: {  	p1 =	seq.s32 s10, $0x1;
	s10 =	sld [smem:$0x3FB9];
	_ =	sdelay $0x3  }
0x37: {  	[smem:$0x3FB9] =	sst s10  }
0x38: {  	s10 =	sld [smem:$0x3FBA]  }
0x39: {  	_ = 	snop;
	(pc) =	sbr.ind lr, $3  }
0x3a: {  	_ = 	snop  }
0x3b: {  	_ = 	snop  }
0x3c: {  	p2 =	seq.s32 s10, $0x1;
	s10 =	sld [smem:$0x3FB9]  }
0x3d: {  	_ =	shalt  }
0x3e: {  	_ =	shalt  }
0x3f: {  	_ =	shalt  }
0x40: {  	_ =	shalt  }
0x41: {  	_ =	shalt  }
0x42: {  	_ =	shalt  }
0x43: {  	_ =	shalt  }
0x44: {  	_ =	shalt  }
0x45: {  	_ =	shalt  }
0x46: {  	_ =	shalt  }
0x47: {  	_ =	shalt  }
0x48: {  	_ =	shalt  }
0x49: {  	_ =	shalt  }
0x4a: {  	_ =	shalt  }
0x4b: {  	_ =	shalt  }
0x4c: {  	_ =	shalt  }
0x4d: {  	_ =	shalt  }
0x4e: {  	_ =	shalt  }
0x4f: {  	_ =	shalt  }
0x50: {  	_ =	shalt  }
0x51: {  	_ =	shalt  }
0x52: {  	_ =	shalt  }
0x53: {  	_ =	shalt  }
0x54: {  	_ =	shalt  }
0x55: {  	_ =	shalt  }
0x56: {  	_ =	shalt  }
0x57: {  	_ =	shalt  }
0x58: {  	_ =	shalt  }
0x59: {  	_ =	shalt  }
0x5a: {  	_ =	shalt  }
0x5b: {  	_ =	shalt  }
0x5c: {  	_ =	shalt  }
0x5d: {  	_ =	shalt  }
0x5e: {  	_ =	shalt  }
0x5f: {  	_ =	shalt  }
0x60: {  	_ =	shalt  }
0x61: {  	_ =	shalt  }
0x62: {  	_ =	shalt  }
0x63: {  	_ =	shalt  }
0x64: {  	_ =	shalt  }
0x65: {  	_ =	shalt  }
0x66: {  	_ =	shalt  }
0x67: {  	_ =	shalt  }
0x68: {  	_ =	shalt  }
0x69: {  	_ =	shalt  }
0x6a: {  	_ =	shalt  }
0x6b: {  	_ =	shalt  }
0x6c: {  	_ =	shalt  }
0x6d: {  	_ =	shalt  }
0x6e: {  	_ =	shalt  }
0x6f: {  	_ =	shalt  }
0x70: {  	_ =	shalt  }
0x71: {  	_ =	shalt  }
0x72: {  	_ =	shalt  }
0x73: {  	_ =	shalt  }
0x74: {  	_ =	shalt  }
0x75: {  	_ =	shalt  }
0x76: {  	_ =	shalt  }
0x77: {  	_ =	shalt  }
0x78: {  	_ =	shalt  }
0x79: {  	_ =	shalt  }
0x7a: {  	_ =	shalt  }
0x7b: {  	_ =	shalt  }
0x7c: {  	_ =	shalt  }
0x7d: {  	_ =	shalt  }
0x7e: {  	_ =	shalt  }
0x7f: {  	_ =	shalt  }
0x80: {  	_ =	shalt  }
0x81: {  	_ =	shalt  }
0x82: {  	_ =	shalt  }
0x83: {  	_ =	shalt  }
0x84: {  	_ =	shalt  }
0x85: {  	_ =	shalt  }
0x86: {  	_ =	shalt  }
0x87: {  	_ =	shalt  }
.Lfunc_end0:
.L_simem_size_0:
called_computation_lowered:
.L_overlay_start_0:
0x88: {  	s2 =	sld [smem:$0x3FD9]  }
0x89: {  	s3 =	sld [smem:$0x3FFE];
	_ =	sdelay $0x1  }
0x8a: {  	s1 =	srdreg.scid  }
0x8b: {  	s0 =	sand.u32 $0x1, s1  }
0x8c: {  	s18 =	sshll.u32 s0, $0xA;
	s2 =	sadd.s32 s3, s2  }
0x8d: {  	s2 =	sadd.s32 s2, s18  }
0x8e: {  	[smem:$0x3FC5] =	sst s2  }
0x8f: {  	_ = 	snop  }
0x90: {  	s2 =	sld [smem:$0x3FC9]  }
0x91: {  	s19 =	sld [smem:$0x3FC8]  }
0x92: {  	s4 =	sld [smem:$0x3FC7]  }
0x93: {  	s5 =	sld [smem:$0x3FD0];
	(tm) =	ssettm $0x1  }
0x94: {  	s6 =	sld [smem:$0x3FFB];
	_ =	sdelay $0x3  }
0x95: {  	_ =	strace s6  }
0x96: {  	s6 =	sld [smem:$0x3FFC];
	_ =	sdelay $0x3  }
0x97: {  	_ =	strace s6  }
0x98: {  	s6 =	sld [smem:$0x3FFD];
	_ =	sdelay $0x3  }
0x99: {  	_ =	strace s6  }
0x9a: {  	_ =	strace $0x8FFFFFFF  }
0x9b: {  	s20 =	sld [smem:$0x3FDB];
	_ =	sdelay $0x1  }
0x9c: {  	s7 =	simm.s32 $_scs_section_size  }
0x9d: {  	s8 =	simm.s32 $_size__tile_overlayer_lowered;
	s9 =	simm.s32 $_tile_overlayer_lowered  }
0x9e: {  	s23 =	simm.s32 $0x1BFF;
	s22 =	sshll.u32 s9, $0x1;
	s6 =	sadd.s32 s7, s20  }
0x9f: {  	s10 =	simm.s32 $0x0;
	s21 =	sshll.u32 s8, $0x1;
	s8 =	sadd.s32 s22, s6  }
0xa0: {  	[timem:s10], [sflag:s23] =	dma.local [hbm:s8], s21  }
0xa1: {  	_ =	swait.ge [sflag:s23], s21  }
0xa2: {  	s7 =	ssub.s32 $0x0, s21;
	[sflag:s23] =	ssyncset.done $0x0  }
0xa3: {  	[sflag:s23] =	ssyncadd.s32 s7;
	_ =	sdelay $0x1  }
0xa4: {  	s24 =	simm.s32 $0x1B8B  }
0xa5: {  	_ =	swait.ge [sflag:s24], $0x1  }
0xa6: {  	[sflag:s24] =	ssyncset.done $0x0  }
0xa7: {  	s25 =	simm.s32 $0x1B8E;
	[sflag:s24] =	ssyncadd.s32 $0xFFFFFFFF  }
0xa8: {  	s26 =	simm.s32 $execute0_lowered;
	[smem:$0x3FD2] =	sst s25  }
0xa9: {  	s7 =	sshll.u32 s26, $0x1;
	_ =	strace $0x80000046;
	[dreg:$0x1] =	wrdreg $0xFFFFFFFF  }
0xaa: {  	s28 =	simm.s32 $_size_execute0_lowered;
	s6 =	sadd.s32 s6, s7;
	[dreg:$0x0] =	wrdreg $0x0  }
0xab: {  	s7 =	sshll.u32 s28, $0x1;
	[dreg:$0x2] =	wrdreg s6  }
0xac: {  	[dreg:$0x3] =	wrdreg s7  }
0xad: {  	[dreg:$0x4] =	wrdreg $0xC0  }
0xae: {  	_ =	task [dreg:s10], $0x5FFFF  }
0xaf: {  	[dreg:$0x1] =	wrdreg $0xFFFFFFFF  }
0xb0: {  	[dreg:$0x0] =	wrdreg $0x60  }
0xb1: {  	[dreg:$0x2] =	wrdreg s2  }
0xb2: {  	[dreg:$0x3] =	wrdreg s19  }
0xb3: {  	[dreg:$0x4] =	wrdreg s4  }
0xb4: {  	[dreg:$0x5] =	wrdreg s5  }
0xb5: {  	[dreg:$0x6] =	wrdreg $0x9  }
0xb6: {  	_ =	task.clear_ibuf [dreg:s10], $0x7FFFF;
	_ =	strace $0x90000046  }
0xb7: {  	s29 =	simm.s32 $0x9;
	_ =	strace $0x80000048  }
0xb8: {  	_ =	swait.ge [sflag:s29], $0x1  }
0xb9: {  	[sflag:s29] =	ssyncadd.s32 $0xFFFFFFFF  }
0xba: {  	_ =	strace $0x90000048  }
0xbb: {  	_ =	sfence  }
0xbc: {  	s30 =	sld [smem:$0x0];
	_ =	sdelay $0x2  }
0xbd: {  	s31 =	sshll.u32 s1, $0xD;
	s1 =	sshrl.u32 s1, $0x2  }
0xbe: {  	s3 =	sand.u32 $0x4000, s31;
	s1 =	sadd.s32 s1, s30  }
0xbf: {  	s0 =	sor.u32 s3, s0;
	s1 =	sshll.u32 s1, $0x11  }
0xc0: {  	s0 =	sor.u32 s1, s0  }
0xc1: {  	s0 =	sadd.s32 $0x8F2B, s0  }
0xc2: {  	[sflag:s0] =	ssyncadd.remote.s32 $0x1  }
0xc3: {  	_ =	sfence.sel $0xFFFF  }
0xc4: {  	[dreg:$0x0] =	wrdreg $0xFFFFFFFF;
	(pc) =	sbr.abs _section_cstart, $3  }
0xc5: {  	[dreg:$0x1] =	wrdreg $0xFFFFFFFF  }
0xc6: {  	_ =	task.clear_ibuf [dreg:s10], $0x2FFFF;
	_ =	strace $0x9FFFFFFF  }
0xc7: {  	(tm) =	ssettm $0x7FFFFFFF  }
tec
execute0_lowered:
.L_overlay_start_1:
0x0: {  	(tag) =	ssettag $0x1  }
0x1: {  	s0 =	rddreg [dreg:$0x0]  }
0x2: {  	s1 =	rddreg [dreg:$0x1]  }
0x3: {  	s2 =	rddreg [dreg:$0x2]  }
0x4: {  	s4 =	rddreg [dreg:$0x3]  }
0x5: {  	s3 =	srdreg.scid;
	s11 =	stileid.u32  }
0x6: {  	s12 =	simm.s32 $0xC400;
	s16 =	simm.s32 $0xE400;
	s17 =	simm.s32 $0xEC00  }
0x7: {  	s18 =	simm.s32 $0xF400;
	s19 =	simm.s32 $0xFC00;
	s20 =	simm.s32 $0x8400  }
0x8: {  	s28 =	simm.s32 $0xBC00;
	s29 =	simm.s32 $0x400;
	s30 =	simm.s32 $0xC00  }
0x9: {  	s31 =	simm.s32 $0x1400;
	s6 =	sand.u32 $0x1, s3;
	s3 =	simm.s32 $0x0  }
0xa: {  	s7 =	sshll.u32 s11, $0x1;
	s21 =	sshll.u32 s11, $0x6;
	s9 =	sand.u32 $0x1, s11  }
0xb: {  	s23 =	sshll.u32 s11, $0x10;
	s5 =	ssub.s32 $0x2, s6;
	[smem:$0x7FF] =	sst s3  }
0xc: {  	s7 =	sor.u32 s6, s7;
	p1 =	seq.s32 s6, $0x1;
	s10 =	sshll.u32 s6, $0xF  }
0xd: {  	s6 =	sshll.u32 s6, $0x6;
	s8 =	sshrl.u32 s5, $0x1;
	_ =	strace $0x80000047  }
0xe: {  	p0 =	seq.s32 s7, $0x0;
	s22 =	sand.u32 $0x7, s7;
	s7 =	simm.s32 $0x4  }
0xf: {  	s8 =	ssub.s32 s5, s8;
	s5 =	sand.u32 $0x380, s21;
	p0 =	por !p0, !p1  }
0x10: {  	p1 =	seq.s32 s9, $0x1;
	s9 =	sadd.s32 s23, s4;
	s21 =	simm.s32 $0x8C00  }
0x11: {  	s23 =	simm.s32 $0x9C00;
	s0 =	sadd.s32 s0, s5;
	p0 =	por !p0, !p0  }
0x12: {  	p2 =	por !p1, !p1;
	s5 =	simm.s32 $0x4;
	s24 =	sadd.s32 s10, s9  }
0x13: {  	s25 =	smax.u32 s8, $0x1;
	s8 =	simm.s32 $0x3C00;
	[dreg:$0x5] =	wrdreg s0  }
0x14: {  	p2 =	por @!p0 p1, p1;
	s0 =	smul.u32 $0x500, s22;
	[dreg:$0x8] =	wrdreg s25  }
0x15: {  	s26 =	sadd.s32 $0x1800, s24;
	p0 =	sgt.u32 s11, $0x3;
	s22 =	simm.s32 $0x9400  }
.Ltmp0:
0x16: {  	v0 =	vlaneseq.u32;
	s24 =	simm.s32 $0xA400;
	s25 =	simm.s32 $0xAC00;
	(pc) =	sbr.rel .LBB2_1-.Ltmp0, $4  }
0x17: {  	v1 =	vand.u32 $0x3, v0;
	v0 =	vshrl.u32 v0, $0x2;
	s11 =	simm.s32 $0x0;
	s7 =	simm.s32 @!p2 $0x0;
	[dreg:$0x9] =	wrdreg s26  }
0x18: {  	v1 =	vmul.u32 $0x80, v1;
	v0 =	vmul.u32 $0x8, v0;
	s26 =	simm.s32 $0xB400;
	s1 =	sadd.s32 s1, s0;
	s0 =	sadd.s32 s4, s0;
	v2 =	vmov s7  }
0x19: {  	s4 =	simm.s32 $0x2C00;
	s7 =	simm.s32 $0x3400;
	[dreg:$0x6] =	wrdreg s1;
	v2 =	vshll.u32 v2, $0x7  }
0x1a: {  	vm0 =	vmmov $0xffff;
	[dreg:$0x7] =	wrdreg s0;
	s0 =	simm.s32 $0x1C00;
	s1 =	simm.s32 $0x2400;
	v1 =	vor.u32 v1, v2;
	v2 =	vor.u32 $0x20, v0  }
.LBB2_9:
0x1b: {  	s9 =	simm.s32 @!p0 $0x9  }
0x1c: {  	_ =	swait.ge @!p0 [sflag:s9], $0x2800  }
0x1d: {  	s10 =	simm.s32 @!p0 $0x0;
	[sflag:s9] =	ssyncset.done @!p0 $0x0  }
0x1e: {  	s11 =	simm.s32 @!p0 $0x10400;
	s13 =	rddreg [dreg:$0x7];
	[sflag:s9] =	ssyncadd.s32 @!p0 $0xFFFFD800  }
0x1f: {  	[hbm4b:s13+s10] =	stream.linear.scatter @!p0 [tilespmem:s11], [sflag:$0x9], $0x2800, $0x38;
	[tilespmem:$0x12C00] =	vst v63  }
0x20: {  	_ =	swait.ge @!p0 [sflag:s9], $0x2800  }
0x21: {  	s14 =	rddreg [dreg:$0xa]  }
0x22: {  	s15 =	rddreg [dreg:$0x8];
	s11 =	sadd.s32 $0x1, s14  }
0x23: {  	p1 =	sne.s32 s11, s15  }
.Ltmp1:
0x24: {  	_ = 	snop;
	(pc) =	sbr.rel @!p1 .LBB2_10-.Ltmp1, $3  }
0x25: {  	_ =	sdelay $0x1  }
0x26: {  	[sflag:s9] =	ssyncset.done @!p0 $0x0  }
0x27: {  	[sflag:s9] =	ssyncadd.s32 @!p0 $0xFFFFD800  }
.LBB2_1:
0x28: {  	[dreg:$0xa] =	wrdreg s11  }
0x29: {  	s9 =	rddreg [dreg:$0x5];
	s15 =	simm.s32 $0xA  }
0x2a: {  	[tilespmem:s3], [sflag:$0xA] =	stream.linear.gather [hbm4b:s9+s3], $0x400, $0x38;
	[tilespmem:$0x12C00] =	vst v63  }
.Ltmp2:
0x2b: {  	_ =	swait.ge [sflag:s15], $0x400;
	(pc) =	sbr.rel .LBB2_2-.Ltmp2, $4  }
0x2c: {  	s10 =	simm.s32 @!p0 $0x10400;
	[sflag:s15] =	ssyncset.done $0x0  }
0x2d: {  	s9 =	simm.s32 @!p0 $0x0;
	s11 =	rddreg [dreg:$0x6];
	[sflag:s15] =	ssyncadd.s32 $0xFFFFFC00  }
0x2e: {  	[tilespmem:s10], [sflag:$0x9] =	stream.linear.gather @!p0 [hbm4b:s11+s9], $0x2800, $0x38;
	[tilespmem:$0x12C00] =	vst v63  }
0x2f: {  	s10 =	simm.s32 $0x3;
	s11 =	rddreg [dreg:$0x9];
	s9 =	simm.s32 $0x0  }
.LBB2_8:
0x30: {  	p1 =	sgt.u32 s10, $0x11  }
0x31: {  	s13 =	simm.s32 @!p1 $0x2  }
0x32: {  	_ =	swait.ge @!p1 [sflag:s13], $0x4000  }
0x33: {  	s9 =	sadd.s32 $0x10, s9;
	s14 =	simm.s32 @!p1 $0x0;
	[sflag:s13] =	ssyncset.done @!p1 $0x0  }
0x34: {  	s15 =	simm.s32 @!p1 $0x4400;
	[sflag:s13] =	ssyncadd.s32 @!p1 $0xFFFFC000;
	s13 =	sadd.s32 @!p1 $0x1800, s11  }
0x35: {  	[hbm4b:s13+s14] =	stream.linear.scatter @!p1 [tilespmem:s15], [sflag:$0x6], $0x4000, $0x38;
	[tilespmem:$0x12C00] =	vst v63  }
0x36: {  	p1 =	sne.s32 s9, $0x50  }
.Ltmp3:
0x37: {  	_ = 	snop;
	(pc) =	sbr.rel @!p1 .LBB2_9-.Ltmp3, $2  }
0x38: {  	_ =	sdelay $0x2  }
0x39: {  	s10 =	sadd.s32 $0x4, s10;
	s11 =	sadd.s32 $0x2000, s11  }
.LBB2_2:
0x3a: {  	s13 =	sadd.s32 $0xFFFFFFF9, s10;
	p4 =	seq.s32 s9, $0x40  }
.Ltmp4:
0x3b: {  	p3 =	sgt.u32 s13, $0xF;
	(pc) =	sbr.rel @p4 .LBB2_4-.Ltmp4, $4  }
0x3c: {  	s13 =	simm.s32 @!p3 $0x5  }
0x3d: {  	_ =	swait.ge @!p3 [sflag:s13], $0x4000  }
0x3e: {  	[sflag:s13] =	ssyncset.done @!p3 $0x0  }
0x3f: {  	[sflag:s13] =	ssyncadd.s32 @!p3 $0xFFFFC000  }
0x40: {  	s13 =	sadd.s32 s9, s6  }
0x41: {  	v3 =	vmov s13  }
0x42: {  	v4 =	vand.u32 $0x80, v3  }
0x43: {  	v3 =	vand.u32 $0x70, v3;
	v4 =	vadd.s32 v1, v4  }
0x44: {  	v3 =	vor.u32 v3, v4;
	_ =	sdelay $0x4  }
0x45: {  	v4 =	vld.idx.msk [tilespmem:v3+s3+$0x0], $0xffff;
	_ =	sdelay $0x4  }
0x46: {  	v5 =	vshll.u32 v4, $0x3  }
0x47: {  	v4 =	vand.u32 $0x7, v4;
	v5 =	vand.u32 $0xFFFFFFC0, v5  }
0x48: {  	v4 =	vor.u32 v5, v4  }
0x49: {  	v4 =	vor.u32 v0, v4;
	_ =	sdelay $0x4  }
0x4a: {  	[tilespmem:s29], [sflag:$0x1] =	stream.indirect_vreg.gather [hbm4b:s2+s3], $0x80, v4, vm0, $0xb8;
	[tilespmem:$0x12C00] =	vst v63  }
0x4b: {  	v4 =	vld.idx.msk [tilespmem:v3+s3+$0x0], $0xffff;
	_ =	sdelay $0x4  }
0x4c: {  	v58 =	vshll.u32 v4, $0x3  }
0x4d: {  	v4 =	vand.u32 $0x7, v4;
	v5 =	vand.u32 $0xFFFFFFC0, v58  }
0x4e: {  	v4 =	vor.u32 v5, v4  }
0x4f: {  	v4 =	vor.u32 v2, v4  }
0x50: {  	v59 =	vor.u32 $0x1, v3;
	_ =	sdelay $0x3  }
0x51: {  	[tilespmem:s30], [sflag:$0x1] =	stream.indirect_vreg.gather [hbm4b:s2+s3], $0x80, v4, vm0, $0xb8;
	[tilespmem:$0x12C00] =	vst v63  }
0x52: {  	v4 =	vld.idx.msk [tilespmem:v59+s3+$0x0], $0xffff;
	_ =	sdelay $0x4  }
0x53: {  	v6 =	vshll.u32 v4, $0x3  }
0x54: {  	v4 =	vand.u32 $0x7, v4;
	v6 =	vand.u32 $0xFFFFFFC0, v6  }
0x55: {  	v4 =	vor.u32 v6, v4  }
0x56: {  	v4 =	vor.u32 v0, v4;
	_ =	sdelay $0x4  }
0x57: {  	[tilespmem:s31], [sflag:$0x1] =	stream.indirect_vreg.gather [hbm4b:s2+s3], $0x80, v4, vm0, $0xb8;
	[tilespmem:$0x12C00] =	vst v63  }
0x58: {  	v4 =	vld.idx.msk [tilespmem:v59+s3+$0x0], $0xffff;
	_ =	sdelay $0x4  }
0x59: {  	v5 =	vshll.u32 v4, $0x3  }
0x5a: {  	v4 =	vand.u32 $0x7, v4;
	v5 =	vand.u32 $0xFFFFFFC0, v5  }
0x5b: {  	v4 =	vor.u32 v5, v4  }
0x5c: {  	v4 =	vor.u32 v2, v4  }
0x5d: {  	v60 =	vor.u32 $0x2, v3;
	_ =	sdelay $0x3  }
0x5e: {  	[tilespmem:s0], [sflag:$0x1] =	stream.indirect_vreg.gather [hbm4b:s2+s3], $0x80, v4, vm0, $0xb8;
	[tilespmem:$0x12C00] =	vst v63  }
0x5f: {  	v4 =	vld.idx.msk [tilespmem:v60+s3+$0x0], $0xffff;
	_ =	sdelay $0x4  }
0x60: {  	v61 =	vshll.u32 v4, $0x3  }
0x61: {  	v4 =	vand.u32 $0x7, v4;
	v6 =	vand.u32 $0xFFFFFFC0, v61  }
0x62: {  	v4 =	vor.u32 v6, v4  }
0x63: {  	v4 =	vor.u32 v0, v4;
	_ =	sdelay $0x4  }
0x64: {  	[tilespmem:s1], [sflag:$0x1] =	stream.indirect_vreg.gather [hbm4b:s2+s3], $0x80, v4, vm0, $0xb8;
	[tilespmem:$0x12C00] =	vst v63  }
0x65: {  	v4 =	vld.idx.msk [tilespmem:v60+s3+$0x0], $0xffff;
	_ =	sdelay $0x4  }
0x66: {  	v5 =	vshll.u32 v4, $0x3  }
0x67: {  	v4 =	vand.u32 $0x7, v4;
	v5 =	vand.u32 $0xFFFFFFC0, v5  }
0x68: {  	v4 =	vor.u32 v5, v4  }
0x69: {  	v4 =	vor.u32 v2, v4  }
0x6a: {  	v3 =	vor.u32 $0x3, v3;
	_ =	sdelay $0x3  }
0x6b: {  	[tilespmem:s4], [sflag:$0x1] =	stream.indirect_vreg.gather [hbm4b:s2+s3], $0x80, v4, vm0, $0xb8;
	[tilespmem:$0x12C00] =	vst v63  }
0x6c: {  	v4 =	vld.idx.msk [tilespmem:v3+s3+$0x0], $0xffff;
	_ =	sdelay $0x4  }
0x6d: {  	v62 =	vshll.u32 v4, $0x3  }
0x6e: {  	v4 =	vand.u32 $0x7, v4;
	v5 =	vand.u32 $0xFFFFFFC0, v62  }
0x6f: {  	v4 =	vor.u32 v5, v4  }
0x70: {  	v4 =	vor.u32 v0, v4;
	_ =	sdelay $0x4  }
0x71: {  	[tilespmem:s7], [sflag:$0x1] =	stream.indirect_vreg.gather [hbm4b:s2+s3], $0x80, v4, vm0, $0xb8;
	[tilespmem:$0x12C00] =	vst v63  }
0x72: {  	v3 =	vld.idx.msk [tilespmem:v3+s3+$0x0], $0xffff;
	_ =	sdelay $0x4  }
0x73: {  	v63 =	vshll.u32 v3, $0x3  }
0x74: {  	v3 =	vand.u32 $0x7, v3;
	v4 =	vand.u32 $0xFFFFFFC0, v63  }
0x75: {  	v3 =	vor.u32 v4, v3  }
0x76: {  	v3 =	vor.u32 v2, v3;
	_ =	sdelay $0x4  }
0x77: {  	[tilespmem:s8], [sflag:$0x1] =	stream.indirect_vreg.gather [hbm4b:s2+s3], $0x80, v3, vm0, $0xb8;
	[tilespmem:$0x12C00] =	vst v63  }
.LBB2_4:
0x78: {  	p1 =	seq.s32 s9, $0x0  }
0x79: {  	p2 =	seq.s32 @!p1 s9, $0x40  }
0x7a: {  	p2 =	por p1, !p2  }
0x7b: {  	s13 =	sadd.s32 @p2 s9, s6  }
0x7c: {  	s14 =	simm.s32 @!p3 $0x3;
	s13 =	sadd.s32 @p2 $0x4, s13  }
0x7d: {  	_ =	swait.ge @!p3 [sflag:s14], $0x4000;
	v3 =	vmov @p2 s13  }
0x7e: {  	[sflag:s14] =	ssyncset.done @!p3 $0x0;
	v4 =	vand.u32 @p2 $0x7FFFFF80, v3  }
0x7f: {  	[sflag:s14] =	ssyncadd.s32 @!p3 $0xFFFFC000;
	s14 =	simm.s32 @!p3 $0x8400;
	s13 =	simm.s32 @!p3 $0x0;
	v3 =	vand.u32 @p2 $0x74, v3;
	v4 =	vadd.s32 @p2 v1, v4  }
0x80: {  	[hbm4b:s11+s13] =	stream.linear.scatter @!p3 [tilespmem:s14], [sflag:$0x7], $0x4000, $0x38;
	v3 =	vor.u32 @p2 v3, v4;
	[tilespmem:$0x12C00] =	vst v63  }
0x81: {  	s13 =	simm.s32 @!p1 $0x6  }
0x82: {  	_ =	swait.ge @!p1 [sflag:s13], $0x4000  }
0x83: {  	[sflag:s13] =	ssyncset.done @!p1 $0x0  }
0x84: {  	[sflag:s13] =	ssyncadd.s32 @!p1 $0xFFFFC000;
	s13 =	simm.s32 @p2 $0x0  }
0x85: {  	v4 =	vld.idx.msk @p2 [tilespmem:v3+s13+$0x0], $0xffff;
	_ =	sdelay $0x3  }
0x86: {  	v5 =	vlaneseq.u32 @p2  }
0x87: {  	v5 =	vshrl.u32 @p2 v5, $0x2;
	v6 =	vshll.u32 @p2 v4, $0x3  }
0x88: {  	v5 =	vmul.u32 @p2 $0x8, v5;
	v4 =	vand.u32 @p2 $0x7, v4;
	v6 =	vand.u32 @p2 $0xFFFFFFC0, v6  }
0x89: {  	v4 =	vor.u32 @p2 v6, v4  }
0x8a: {  	v4 =	vor.u32 @p2 v5, v4;
	_ =	sdelay $0x3  }
0x8b: {  	vm1 =	vmmov @p2 $0xffff;
	s14 =	simm.s32 @p2 $0x4400  }
0x8c: {  	[tilespmem:s14], [sflag:$0x2] =	stream.indirect_vreg.gather @p2 [hbm4b:s2+s13], $0x80, v4, vm1, $0xb8;
	[tilespmem:$0x12C00] =	vst v63  }
0x8d: {  	v4 =	vld.idx.msk @p2 [tilespmem:v3+s13+$0x0], $0xffff;
	_ =	sdelay $0x4  }
0x8e: {  	v6 =	vshll.u32 @p2 v4, $0x3  }
0x8f: {  	v4 =	vand.u32 @p2 $0x7, v4;
	v6 =	vand.u32 @p2 $0xFFFFFFC0, v6  }
0x90: {  	v4 =	vor.u32 @p2 v6, v4;
	v6 =	vor.u32 @p2 $0x20, v5  }
0x91: {  	v4 =	vor.u32 @p2 v6, v4  }
0x92: {  	v7 =	vor.u32 @p2 $0x1, v3;
	_ =	sdelay $0x2  }
0x93: {  	s14 =	simm.s32 @p2 $0x4C00  }
0x94: {  	[tilespmem:s14], [sflag:$0x2] =	stream.indirect_vreg.gather @p2 [hbm4b:s2+s13], $0x80, v4, vm1, $0xb8;
	[tilespmem:$0x12C00] =	vst v63  }
0x95: {  	v4 =	vld.idx.msk @p2 [tilespmem:v7+s13+$0x0], $0xffff;
	_ =	sdelay $0x4  }
0x96: {  	v8 =	vshll.u32 @p2 v4, $0x3  }
0x97: {  	v4 =	vand.u32 @p2 $0x7, v4;
	v8 =	vand.u32 @p2 $0xFFFFFFC0, v8  }
0x98: {  	v4 =	vor.u32 @p2 v8, v4  }
0x99: {  	v4 =	vor.u32 @p2 v5, v4;
	_ =	sdelay $0x3  }
0x9a: {  	s14 =	simm.s32 @p2 $0x5400  }
0x9b: {  	[tilespmem:s14], [sflag:$0x2] =	stream.indirect_vreg.gather @p2 [hbm4b:s2+s13], $0x80, v4, vm1, $0xb8;
	[tilespmem:$0x12C00] =	vst v63  }
0x9c: {  	v4 =	vld.idx.msk @p2 [tilespmem:v7+s13+$0x0], $0xffff;
	_ =	sdelay $0x4  }
0x9d: {  	v7 =	vshll.u32 @p2 v4, $0x3  }
0x9e: {  	v4 =	vand.u32 @p2 $0x7, v4;
	v7 =	vand.u32 @p2 $0xFFFFFFC0, v7  }
0x9f: {  	v4 =	vor.u32 @p2 v7, v4  }
0xa0: {  	v4 =	vor.u32 @p2 v6, v4  }
0xa1: {  	v7 =	vor.u32 @p2 $0x2, v3;
	_ =	sdelay $0x2  }
0xa2: {  	s14 =	simm.s32 @p2 $0x5C00  }
0xa3: {  	[tilespmem:s14], [sflag:$0x2] =	stream.indirect_vreg.gather @p2 [hbm4b:s2+s13], $0x80, v4, vm1, $0xb8;
	[tilespmem:$0x12C00] =	vst v63  }
0xa4: {  	v4 =	vld.idx.msk @p2 [tilespmem:v7+s13+$0x0], $0xffff;
	_ =	sdelay $0x4  }
0xa5: {  	v8 =	vshll.u32 @p2 v4, $0x3  }
0xa6: {  	v4 =	vand.u32 @p2 $0x7, v4;
	v8 =	vand.u32 @p2 $0xFFFFFFC0, v8  }
0xa7: {  	v4 =	vor.u32 @p2 v8, v4  }
0xa8: {  	v4 =	vor.u32 @p2 v5, v4;
	_ =	sdelay $0x3  }
0xa9: {  	s14 =	simm.s32 @p2 $0x6400  }
0xaa: {  	[tilespmem:s14], [sflag:$0x2] =	stream.indirect_vreg.gather @p2 [hbm4b:s2+s13], $0x80, v4, vm1, $0xb8;
	[tilespmem:$0x12C00] =	vst v63  }
0xab: {  	v4 =	vld.idx.msk @p2 [tilespmem:v7+s13+$0x0], $0xffff;
	_ =	sdelay $0x4  }
0xac: {  	v7 =	vshll.u32 @p2 v4, $0x3  }
0xad: {  	v4 =	vand.u32 @p2 $0x7, v4;
	v7 =	vand.u32 @p2 $0xFFFFFFC0, v7  }
0xae: {  	v4 =	vor.u32 @p2 v7, v4  }
0xaf: {  	v4 =	vor.u32 @p2 v6, v4  }
0xb0: {  	v3 =	vor.u32 @p2 $0x3, v3;
	_ =	sdelay $0x2  }
0xb1: {  	s14 =	simm.s32 @p2 $0x6C00  }
0xb2: {  	[tilespmem:s14], [sflag:$0x2] =	stream.indirect_vreg.gather @p2 [hbm4b:s2+s13], $0x80, v4, vm1, $0xb8;
	[tilespmem:$0x12C00] =	vst v63  }
0xb3: {  	v4 =	vld.idx.msk @p2 [tilespmem:v3+s13+$0x0], $0xffff;
	_ =	sdelay $0x4  }
0xb4: {  	v7 =	vshll.u32 @p2 v4, $0x3  }
0xb5: {  	v4 =	vand.u32 @p2 $0x7, v4;
	v7 =	vand.u32 @p2 $0xFFFFFFC0, v7  }
0xb6: {  	v4 =	vor.u32 @p2 v7, v4  }
0xb7: {  	v4 =	vor.u32 @p2 v5, v4;
	_ =	sdelay $0x3  }
0xb8: {  	s14 =	simm.s32 @p2 $0x7400  }
0xb9: {  	[tilespmem:s14], [sflag:$0x2] =	stream.indirect_vreg.gather @p2 [hbm4b:s2+s13], $0x80, v4, vm1, $0xb8;
	[tilespmem:$0x12C00] =	vst v63  }
0xba: {  	v3 =	vld.idx.msk @p2 [tilespmem:v3+s13+$0x0], $0xffff;
	_ =	sdelay $0x4  }
0xbb: {  	v4 =	vshll.u32 @p2 v3, $0x3  }
0xbc: {  	v3 =	vand.u32 @p2 $0x7, v3;
	v4 =	vand.u32 @p2 $0xFFFFFFC0, v4  }
0xbd: {  	v3 =	vor.u32 @p2 v4, v3  }
0xbe: {  	v3 =	vor.u32 @p2 v6, v3;
	_ =	sdelay $0x2  }
0xbf: {  	p5 =	seq.s32 @p2 s9, $0x0  }
0xc0: {  	p5 =	por !p2, !p5;
	s14 =	simm.s32 @p2 $0x7C00  }
0xc1: {  	[tilespmem:s14], [sflag:$0x2] =	stream.indirect_vreg.gather @p2 [hbm4b:s2+s13], $0x80, v3, vm1, $0xb8;
	[tilespmem:$0x12C00] =	vst v63  }
0xc2: {  	_ =	swait.ge @p5 [sflag:s5], $0x4000  }
0xc3: {  	[sflag:s5] =	ssyncset.done @p5 $0x0  }
0xc4: {  	s13 =	sadd.s32 @p5 $0x800, s11;
	[sflag:s5] =	ssyncadd.s32 @p5 $0xFFFFC000  }
0xc5: {  	[hbm4b:s13+s3] =	stream.linear.scatter @p5 [tilespmem:s12], [sflag:$0x8], $0x4000, $0x38;
	[tilespmem:$0x12C00] =	vst v63  }
.Ltmp5:
0xc6: {  	_ = 	snop;
	(pc) =	sbr.rel @p4 .LBB2_6-.Ltmp5, $4  }
0xc7: {  	s13 =	simm.s32 @!p3 $0x7  }
0xc8: {  	_ =	swait.ge @!p3 [sflag:s13], $0x4000  }
0xc9: {  	[sflag:s13] =	ssyncset.done @!p3 $0x0  }
0xca: {  	[sflag:s13] =	ssyncadd.s32 @!p3 $0xFFFFC000  }
0xcb: {  	s13 =	sadd.s32 s9, s6  }
0xcc: {  	s13 =	sadd.s32 $0x8, s13  }
0xcd: {  	v3 =	vmov s13  }
0xce: {  	v4 =	vand.u32 $0x7FFFFF80, v3  }
0xcf: {  	v3 =	vand.u32 $0x78, v3;
	v4 =	vadd.s32 v1, v4  }
0xd0: {  	v3 =	vor.u32 v3, v4;
	_ =	sdelay $0x4  }
0xd1: {  	v4 =	vld.idx.msk [tilespmem:v3+s3+$0x0], $0xffff;
	_ =	sdelay $0x4  }
0xd2: {  	v5 =	vshll.u32 v4, $0x3  }
0xd3: {  	v4 =	vand.u32 $0x7, v4;
	v5 =	vand.u32 $0xFFFFFFC0, v5  }
0xd4: {  	v4 =	vor.u32 v5, v4  }
0xd5: {  	v4 =	vor.u32 v0, v4;
	_ =	sdelay $0x4  }
0xd6: {  	[tilespmem:s20], [sflag:$0x3] =	stream.indirect_vreg.gather [hbm4b:s2+s3], $0x80, v4, vm0, $0xb8;
	[tilespmem:$0x12C00] =	vst v63  }
0xd7: {  	v4 =	vld.idx.msk [tilespmem:v3+s3+$0x0], $0xffff;
	_ =	sdelay $0x4  }
0xd8: {  	v58 =	vshll.u32 v4, $0x3  }
0xd9: {  	v4 =	vand.u32 $0x7, v4;
	v5 =	vand.u32 $0xFFFFFFC0, v58  }
0xda: {  	v4 =	vor.u32 v5, v4  }
0xdb: {  	v4 =	vor.u32 v2, v4  }
0xdc: {  	v59 =	vor.u32 $0x1, v3;
	_ =	sdelay $0x3  }
0xdd: {  	[tilespmem:s21], [sflag:$0x3] =	stream.indirect_vreg.gather [hbm4b:s2+s3], $0x80, v4, vm0, $0xb8;
	[tilespmem:$0x12C00] =	vst v63  }
0xde: {  	v4 =	vld.idx.msk [tilespmem:v59+s3+$0x0], $0xffff;
	_ =	sdelay $0x4  }
0xdf: {  	v6 =	vshll.u32 v4, $0x3  }
0xe0: {  	v4 =	vand.u32 $0x7, v4;
	v6 =	vand.u32 $0xFFFFFFC0, v6  }
0xe1: {  	v4 =	vor.u32 v6, v4  }
0xe2: {  	v4 =	vor.u32 v0, v4;
	_ =	sdelay $0x4  }
0xe3: {  	[tilespmem:s22], [sflag:$0x3] =	stream.indirect_vreg.gather [hbm4b:s2+s3], $0x80, v4, vm0, $0xb8;
	[tilespmem:$0x12C00] =	vst v63  }
0xe4: {  	v4 =	vld.idx.msk [tilespmem:v59+s3+$0x0], $0xffff;
	_ =	sdelay $0x4  }
0xe5: {  	v5 =	vshll.u32 v4, $0x3  }
0xe6: {  	v4 =	vand.u32 $0x7, v4;
	v5 =	vand.u32 $0xFFFFFFC0, v5  }
0xe7: {  	v4 =	vor.u32 v5, v4  }
0xe8: {  	v4 =	vor.u32 v2, v4  }
0xe9: {  	v60 =	vor.u32 $0x2, v3;
	_ =	sdelay $0x3  }
0xea: {  	[tilespmem:s23], [sflag:$0x3] =	stream.indirect_vreg.gather [hbm4b:s2+s3], $0x80, v4, vm0, $0xb8;
	[tilespmem:$0x12C00] =	vst v63  }
0xeb: {  	v4 =	vld.idx.msk [tilespmem:v60+s3+$0x0], $0xffff;
	_ =	sdelay $0x4  }
0xec: {  	v61 =	vshll.u32 v4, $0x3  }
0xed: {  	v4 =	vand.u32 $0x7, v4;
	v6 =	vand.u32 $0xFFFFFFC0, v61  }
0xee: {  	v4 =	vor.u32 v6, v4  }
0xef: {  	v4 =	vor.u32 v0, v4;
	_ =	sdelay $0x4  }
0xf0: {  	[tilespmem:s24], [sflag:$0x3] =	stream.indirect_vreg.gather [hbm4b:s2+s3], $0x80, v4, vm0, $0xb8;
	[tilespmem:$0x12C00] =	vst v63  }
0xf1: {  	v4 =	vld.idx.msk [tilespmem:v60+s3+$0x0], $0xffff;
	_ =	sdelay $0x4  }
0xf2: {  	v5 =	vshll.u32 v4, $0x3  }
0xf3: {  	v4 =	vand.u32 $0x7, v4;
	v5 =	vand.u32 $0xFFFFFFC0, v5  }
0xf4: {  	v4 =	vor.u32 v5, v4  }
0xf5: {  	v4 =	vor.u32 v2, v4  }
0xf6: {  	v3 =	vor.u32 $0x3, v3;
	_ =	sdelay $0x3  }
0xf7: {  	[tilespmem:s25], [sflag:$0x3] =	stream.indirect_vreg.gather [hbm4b:s2+s3], $0x80, v4, vm0, $0xb8;
	[tilespmem:$0x12C00] =	vst v63  }
0xf8: {  	v4 =	vld.idx.msk [tilespmem:v3+s3+$0x0], $0xffff;
	_ =	sdelay $0x4  }
0xf9: {  	v62 =	vshll.u32 v4, $0x3  }
0xfa: {  	v4 =	vand.u32 $0x7, v4;
	v5 =	vand.u32 $0xFFFFFFC0, v62  }
0xfb: {  	v4 =	vor.u32 v5, v4  }
0xfc: {  	v4 =	vor.u32 v0, v4;
	_ =	sdelay $0x4  }
0xfd: {  	[tilespmem:s26], [sflag:$0x3] =	stream.indirect_vreg.gather [hbm4b:s2+s3], $0x80, v4, vm0, $0xb8;
	[tilespmem:$0x12C00] =	vst v63  }
0xfe: {  	v3 =	vld.idx.msk [tilespmem:v3+s3+$0x0], $0xffff;
	_ =	sdelay $0x4  }
0xff: {  	v63 =	vshll.u32 v3, $0x3  }
0x100: {  	v3 =	vand.u32 $0x7, v3;
	v4 =	vand.u32 $0xFFFFFFC0, v63  }
0x101: {  	v3 =	vor.u32 v4, v3  }
0x102: {  	v3 =	vor.u32 v2, v3;
	_ =	sdelay $0x4  }
0x103: {  	[tilespmem:s28], [sflag:$0x3] =	stream.indirect_vreg.gather [hbm4b:s2+s3], $0x80, v3, vm0, $0xb8;
	[tilespmem:$0x12C00] =	vst v63  }
.LBB2_6:
0x104: {  	s13 =	sadd.s32 $0xFFFFFFFF, s10  }
0x105: {  	p3 =	sgt.u32 s13, $0x11  }
0x106: {  	s13 =	simm.s32 @!p3 $0x1  }
0x107: {  	_ =	swait.ge @!p3 [sflag:s13], $0x4000  }
0x108: {  	s14 =	simm.s32 @!p3 $0x0;
	[sflag:s13] =	ssyncset.done @!p3 $0x0  }
0x109: {  	s15 =	simm.s32 @!p3 $0x400;
	[sflag:s13] =	ssyncadd.s32 @!p3 $0xFFFFC000;
	s13 =	sadd.s32 @!p3 $0x1000, s11  }
0x10a: {  	[hbm4b:s13+s14] =	stream.linear.scatter @!p3 [tilespmem:s15], [sflag:$0x5], $0x4000, $0x38;
	[tilespmem:$0x12C00] =	vst v63  }
.Ltmp6:
0x10b: {  	_ = 	snop;
	(pc) =	sbr.rel @!p2 .LBB2_8-.Ltmp6, $4  }
0x10c: {  	s13 =	simm.s32 @!p1 $0x8  }
0x10d: {  	_ =	swait.ge @!p1 [sflag:s13], $0x4000  }
0x10e: {  	[sflag:s13] =	ssyncset.done @!p1 $0x0  }
0x10f: {  	[sflag:s13] =	ssyncadd.s32 @!p1 $0xFFFFC000  }
0x110: {  	s13 =	sadd.s32 s9, s6  }
0x111: {  	s13 =	sadd.s32 $0xC, s13  }
0x112: {  	v3 =	vmov s13  }
0x113: {  	v4 =	vand.u32 $0x7FFFFF80, v3  }
0x114: {  	v3 =	vand.u32 $0x7C, v3;
	v4 =	vadd.s32 v1, v4  }
0x115: {  	v3 =	vor.u32 v3, v4;
	_ =	sdelay $0x4  }
0x116: {  	v4 =	vld.idx.msk [tilespmem:v3+s3+$0x0], $0xffff;
	_ =	sdelay $0x4  }
0x117: {  	v5 =	vshll.u32 v4, $0x3  }
0x118: {  	v4 =	vand.u32 $0x7, v4;
	v5 =	vand.u32 $0xFFFFFFC0, v5  }
0x119: {  	v4 =	vor.u32 v5, v4  }
0x11a: {  	v4 =	vor.u32 v0, v4;
	_ =	sdelay $0x4  }
0x11b: {  	[tilespmem:s12], [sflag:$0x4] =	stream.indirect_vreg.gather [hbm4b:s2+s3], $0x80, v4, vm0, $0xb8;
	[tilespmem:$0x12C00] =	vst v63  }
0x11c: {  	v4 =	vld.idx.msk [tilespmem:v3+s3+$0x0], $0xffff;
	_ =	sdelay $0x4  }
0x11d: {  	v58 =	vshll.u32 v4, $0x3  }
0x11e: {  	v4 =	vand.u32 $0x7, v4;
	v5 =	vand.u32 $0xFFFFFFC0, v58  }
0x11f: {  	v4 =	vor.u32 v5, v4  }
0x120: {  	v4 =	vor.u32 v2, v4  }
0x121: {  	v59 =	vor.u32 $0x1, v3;
	_ =	sdelay $0x2  }
0x122: {  	s15 =	simm.s32 $0xCC00  }
0x123: {  	[tilespmem:s15], [sflag:$0x4] =	stream.indirect_vreg.gather [hbm4b:s2+s3], $0x80, v4, vm0, $0xb8;
	[tilespmem:$0x12C00] =	vst v63  }
0x124: {  	v4 =	vld.idx.msk [tilespmem:v59+s3+$0x0], $0xffff;
	_ =	sdelay $0x4  }
0x125: {  	v6 =	vshll.u32 v4, $0x3  }
0x126: {  	v4 =	vand.u32 $0x7, v4;
	v6 =	vand.u32 $0xFFFFFFC0, v6  }
0x127: {  	v4 =	vor.u32 v6, v4  }
0x128: {  	v4 =	vor.u32 v0, v4;
	_ =	sdelay $0x3  }
0x129: {  	s14 =	simm.s32 $0xD400  }
0x12a: {  	[tilespmem:s14], [sflag:$0x4] =	stream.indirect_vreg.gather [hbm4b:s2+s3], $0x80, v4, vm0, $0xb8;
	[tilespmem:$0x12C00] =	vst v63  }
0x12b: {  	v4 =	vld.idx.msk [tilespmem:v59+s3+$0x0], $0xffff;
	_ =	sdelay $0x4  }
0x12c: {  	v5 =	vshll.u32 v4, $0x3  }
0x12d: {  	v4 =	vand.u32 $0x7, v4;
	v5 =	vand.u32 $0xFFFFFFC0, v5  }
0x12e: {  	v4 =	vor.u32 v5, v4  }
0x12f: {  	v4 =	vor.u32 v2, v4  }
0x130: {  	v60 =	vor.u32 $0x2, v3;
	_ =	sdelay $0x2  }
0x131: {  	s15 =	simm.s32 $0xDC00  }
0x132: {  	[tilespmem:s15], [sflag:$0x4] =	stream.indirect_vreg.gather [hbm4b:s2+s3], $0x80, v4, vm0, $0xb8;
	[tilespmem:$0x12C00] =	vst v63  }
0x133: {  	v4 =	vld.idx.msk [tilespmem:v60+s3+$0x0], $0xffff;
	_ =	sdelay $0x4  }
0x134: {  	v61 =	vshll.u32 v4, $0x3  }
0x135: {  	v4 =	vand.u32 $0x7, v4;
	v6 =	vand.u32 $0xFFFFFFC0, v61  }
0x136: {  	v4 =	vor.u32 v6, v4  }
0x137: {  	v4 =	vor.u32 v0, v4;
	_ =	sdelay $0x4  }
0x138: {  	[tilespmem:s16], [sflag:$0x4] =	stream.indirect_vreg.gather [hbm4b:s2+s3], $0x80, v4, vm0, $0xb8;
	[tilespmem:$0x12C00] =	vst v63  }
0x139: {  	v4 =	vld.idx.msk [tilespmem:v60+s3+$0x0], $0xffff;
	_ =	sdelay $0x4  }
0x13a: {  	v5 =	vshll.u32 v4, $0x3  }
0x13b: {  	v4 =	vand.u32 $0x7, v4;
	v5 =	vand.u32 $0xFFFFFFC0, v5  }
0x13c: {  	v4 =	vor.u32 v5, v4  }
0x13d: {  	v4 =	vor.u32 v2, v4  }
0x13e: {  	v3 =	vor.u32 $0x3, v3;
	_ =	sdelay $0x3  }
0x13f: {  	[tilespmem:s17], [sflag:$0x4] =	stream.indirect_vreg.gather [hbm4b:s2+s3], $0x80, v4, vm0, $0xb8;
	[tilespmem:$0x12C00] =	vst v63  }
0x140: {  	v4 =	vld.idx.msk [tilespmem:v3+s3+$0x0], $0xffff;
	_ =	sdelay $0x4  }
0x141: {  	v62 =	vshll.u32 v4, $0x3  }
0x142: {  	v4 =	vand.u32 $0x7, v4;
	v5 =	vand.u32 $0xFFFFFFC0, v62  }
0x143: {  	v4 =	vor.u32 v5, v4  }
0x144: {  	v4 =	vor.u32 v0, v4;
	_ =	sdelay $0x4  }
0x145: {  	[tilespmem:s18], [sflag:$0x4] =	stream.indirect_vreg.gather [hbm4b:s2+s3], $0x80, v4, vm0, $0xb8;
	[tilespmem:$0x12C00] =	vst v63  }
0x146: {  	v3 =	vld.idx.msk [tilespmem:v3+s3+$0x0], $0xffff;
	_ =	sdelay $0x4  }
0x147: {  	v63 =	vshll.u32 v3, $0x3  }
0x148: {  	v3 =	vand.u32 $0x7, v3;
	v4 =	vand.u32 $0xFFFFFFC0, v63  }
0x149: {  	v3 =	vor.u32 v4, v3  }
0x14a: {  	v3 =	vor.u32 v2, v3  }
.Ltmp7:
0x14b: {  	_ = 	snop;
	(pc) =	sbr.rel .LBB2_8-.Ltmp7, $2  }
0x14c: {  	_ =	sdelay $0x2  }
0x14d: {  	[tilespmem:s19], [sflag:$0x4] =	stream.indirect_vreg.gather [hbm4b:s2+s3], $0x80, v3, vm0, $0xb8;
	[tilespmem:$0x12C00] =	vst v63  }
.LBB2_10:
0x14e: {  	_ =	sfence.sel $0x180000  }
0x14f: {  	[bflag:$0x0] =	sbarrier.arrive $0xFFFF  }
0x150: {  	_ =	strace $0x90000047  }
0x151: {  	s0 =	stileid.u32;
	[bflag:$0x2] =	sbarrier.arrive $0xFFFF  }
0x152: {  	p0 =	sne.s32 s0, $0x0;
	s0 =	rddreg [dreg:$0x4]  }
0x153: {  	s0 =	sadd.s32 @!p0 $0x100000, s0  }
0x154: {  	[sflag:s0] =	ssyncadd.tile.s32 @!p0 $0x1;
	_ =	shalt  }
.Lfunc_end2:
_tile_overlayer_lowered:
.L_overlay_start_2:
0x155: {  	(tag) =	ssettag $0x2  }
0x156: {  	s0 =	rddreg [dreg:$0x0];
	s2 =	stileid.u32  }
0x157: {  	s1 =	rddreg [dreg:$0x1];
	p0 =	sne.s32 s2, $0x0  }
0x158: {  	s3 =	rddreg [dreg:$0x2];
	[bflag:$0x3] =	sbarrier.arrive $0xFFFF;
	s2 =	simm.s32 @!p0 $0x1C0A  }
0x159: {  	[timem:s3], [sflag:s2] =	dma.local @!p0 [hbm:s0], s1  }
0x15a: {  	s0 =	simm.s32 @!p0 $0xA  }
0x15b: {  	_ =	swait.ge @!p0 [sflag:s0], s1  }
0x15c: {  	s1 =	ssub.s32 @!p0 $0x0, s1;
	[sflag:s0] =	ssyncset.done @!p0 $0x0  }
0x15d: {  	[sflag:s0] =	ssyncadd.s32 @!p0 s1  }
0x15e: {  	[bflag:$0x3] =	sbarrier.arrive $0xFFFF  }
0x15f: {  	_ =	shalt  }

</sc_bundles>
